<compile_context>
chip_gen: v7x
topology: tpu7x:2x2x1
jax: 0.10.2.dev20260603
libtpu: 0.0.44.dev20260713+nightly
codegen_flags: <defaults>
</compile_context>

<pallas_src>
import functools

import jax
import jax.numpy as jnp
from jax import lax
from jax.experimental import pallas as pl
from jax.experimental.pallas import tpu as pltpu
from jax.experimental.pallas import tpu_sc as plsc

_BN_EPS = 1e-5

_NC = 2
_NS = 16
_NW = _NC * _NS
_B = 128
_NBUF = 2
_NSTAGE = 2


def _proj_body(x_ref, c_ref, w1x_ref, w1c_ref, hp_ref):
    hp_ref[...] = (
        jnp.dot(x_ref[...], w1x_ref[...].T, preferred_element_type=jnp.float32)
        + jnp.dot(c_ref[...], w1c_ref[...].T, preferred_element_type=jnp.float32)
    )


def _project(x, c, W1):
    n = x.shape[0]
    d_hid = W1.shape[0]
    w1x = W1[:, : x.shape[1]]
    w1c = W1[:, x.shape[1] :]
    return pl.pallas_call(
        _proj_body,
        out_shape=jax.ShapeDtypeStruct((n, d_hid), jnp.float32),
    )(x, c, w1x, w1c)


def _sc_body(nb, rows_per_tile, hp_hbm, idx_hbm, zer_hbm, out_hbm,
             idx_v, rows_v, acc_sh, gsem, ssem):
    cid = lax.axis_index("c")
    sid = lax.axis_index("s")
    w = cid * _NS + sid
    base = sid * rows_per_tile
    pltpu.sync_copy(zer_hbm, acc_sh.at[pl.ds(base, rows_per_tile)])
    plsc.subcore_barrier()

    nbh = nb // _NSTAGE

    def g_start(b, k):
        pltpu.async_copy(hp_hbm.at[idx_v.at[b, 0]], rows_v.at[k], gsem.at[k])

    def g_wait(k):
        pltpu.make_async_copy(
            hp_hbm.at[idx_v.at[0, 0]], rows_v.at[k], gsem.at[k]
        ).wait()

    def s_start(b, k):
        pltpu.async_copy(
            rows_v.at[k], acc_sh.at[idx_v.at[b, 1]], ssem.at[k], add=True
        )

    def s_wait(k):
        pltpu.make_async_copy(
            rows_v.at[k], acc_sh.at[idx_v.at[0, 1]], ssem.at[k]
        ).wait()

    for stage in range(_NSTAGE):
        pltpu.sync_copy(idx_hbm.at[w, pl.ds(stage * nbh, nbh)], idx_v)
        for k in range(_NBUF):
            g_start(k, k)
        ng = nbh // _NBUF

        @pl.loop(0, ng - 1)
        def _grp(g):
            b0 = g * _NBUF
            for k in range(_NBUF):
                g_wait(k)
                s_start(b0 + k, k)
                s_wait(k)
                g_start(b0 + _NBUF + k, k)

        b0 = (ng - 1) * _NBUF
        for k in range(_NBUF):
            g_wait(k)
            s_start(b0 + k, k)
        for k in range(_NBUF):
            s_wait(k)

    plsc.subcore_barrier()
    pltpu.sync_copy(
        acc_sh.at[pl.ds(base, rows_per_tile)],
        out_hbm.at[cid, pl.ds(base, rows_per_tile)],
    )


def _sc_segment_sum(hp, src, dst, n_pad):
    e = src.shape[0]
    d = hp.shape[1]
    n = hp.shape[0]
    per_w = -(-e // _NW)
    per_w_pad = -(-per_w // (_B * _NBUF * _NSTAGE)) * (_B * _NBUF * _NSTAGE)
    nb = per_w_pad // _B
    rows_per_tile = n_pad // _NS

    dspread = n_pad - n
    e_w = _NW * per_w
    src_f = jnp.zeros((e_w,), jnp.int32).at[:e].set(src.astype(jnp.int32))
    dst_f = (n + jnp.arange(e_w, dtype=jnp.int32) % dspread).at[:e].set(
        dst.astype(jnp.int32)
    )
    pad_cnt = per_w_pad - per_w
    src_w = jnp.concatenate(
        [src_f.reshape(_NW, per_w), jnp.zeros((_NW, pad_cnt), jnp.int32)],
        axis=1,
    )
    dst_pad = jnp.broadcast_to(
        n + jnp.arange(pad_cnt, dtype=jnp.int32) % dspread, (_NW, pad_cnt)
    )
    dst_w = jnp.concatenate([dst_f.reshape(_NW, per_w), dst_pad], axis=1)
    idx = jnp.stack(
        [src_w.reshape(_NW, nb, _B), dst_w.reshape(_NW, nb, _B)], axis=2
    )
    zer = jnp.zeros((rows_per_tile, d), jnp.float32)

    mesh = plsc.VectorSubcoreMesh(
        core_axis_name="c", subcore_axis_name="s", num_cores=_NC,
        num_subcores=_NS,
    )
    fn = pl.kernel(
        functools.partial(_sc_body, nb, rows_per_tile),
        out_type=jax.ShapeDtypeStruct((_NC, n_pad, d), jnp.float32),
        mesh=mesh,
        scratch_types=[
            pltpu.VMEM((nb // _NSTAGE, 2, _B), jnp.int32),
            pltpu.VMEM((_NBUF, _B, d), jnp.float32),
            pltpu.VMEM_SHARED((n_pad, d), jnp.float32),
            pltpu.SemaphoreType.DMA((_NBUF,)),
            pltpu.SemaphoreType.DMA((_NBUF,)),
        ],
    )
    return fn(hp, idx, zer)


def _mlp_body(n, hp_ref, agg_ref, b1_ref, gamma_ref, beta_ref, w2_ref, b2_ref,
              eps_ref, out_ref):
    hp = hp_ref[...]
    y = (
        (1.0 + eps_ref[0, 0]) * hp
        + agg_ref[0, :n, :]
        + agg_ref[1, :n, :]
        + b1_ref[...]
    )
    mu = jnp.mean(y, axis=0, keepdims=True)
    var = jnp.mean(jnp.square(y - mu), axis=0, keepdims=True)
    yhat = (y - mu) * lax.rsqrt(var + _BN_EPS)
    y2 = jnp.maximum(yhat * gamma_ref[...] + beta_ref[...], 0.0)
    out_ref[...] = (
        jnp.dot(y2, w2_ref[...].T, preferred_element_type=jnp.float32)
        + b2_ref[...]
    )


def _mlp(hp, agg, b1, gamma, beta, W2, b2, eps):
    n, d_hid = hp.shape
    emb = W2.shape[0]
    return pl.pallas_call(
        functools.partial(_mlp_body, n),
        out_shape=jax.ShapeDtypeStruct((n, emb), jnp.float32),
        in_specs=[pl.BlockSpec(memory_space=pltpu.VMEM) for _ in range(7)]
        + [pl.BlockSpec(memory_space=pltpu.SMEM)],
        out_specs=pl.BlockSpec(memory_space=pltpu.VMEM),
    )(
        hp,
        agg,
        b1.reshape(1, d_hid),
        gamma.reshape(1, d_hid),
        beta.reshape(1, d_hid),
        W2,
        b2.reshape(1, emb),
        eps.reshape(1, 1),
    )


def kernel(x, c, edge_index, W1, b1, gamma, beta, W2, b2, eps):
    n = x.shape[0]
    n_pad = -(-(n + 1) // (_NS * 8)) * (_NS * 8)
    hp = _project(x, c, W1)
    agg = _sc_segment_sum(hp, edge_index[0], edge_index[1], n_pad)
    return _mlp(hp, agg, b1, gamma, beta, W2, b2, eps)

# --- scband reference (transcript-rebuilt; emitter-appended) ---
"""Pipeline reference for scband-colour-cat-ginconv-41094247088188 (READ-ONLY COPY).

The authoritative reference and input builder live on the scoring server;
editing this copy changes nothing except your own understanding.
"""

import jax, jax.numpy as jnp
import numpy as np

N = 10000
E = 320000
IN_DIM = 128
COLOUR_DIM = 16
EMB_DIM = 128
MULT = 1
BN_EPS = 1e-5


def setup_inputs(seed: int = 0) -> dict:
    key = jax.random.key(seed)
    ks = jax.random.split(key, 8)
    x = jax.random.normal(ks[0], (N, IN_DIM), dtype=jnp.float32)
    c = jax.random.normal(ks[1], (N, COLOUR_DIM), dtype=jnp.float32)
    edge_index = jax.random.randint(ks[2], (2, E), 0, N)
    d_in = IN_DIM + COLOUR_DIM
    d_hid = MULT * EMB_DIM
    W1 = jax.random.normal(ks[3], (d_hid, d_in), dtype=jnp.float32) * (1.0 / np.sqrt(d_in))
    b1 = jnp.zeros((d_hid,), dtype=jnp.float32)
    gamma = jnp.ones((d_hid,), dtype=jnp.float32)
    beta = jnp.zeros((d_hid,), dtype=jnp.float32)
    W2 = jax.random.normal(ks[4], (EMB_DIM, d_hid), dtype=jnp.float32) * (1.0 / np.sqrt(d_hid))
    b2 = jnp.zeros((EMB_DIM,), dtype=jnp.float32)
    eps = jnp.array(0.0, dtype=jnp.float32)  # GIN trainable eps, init 0
    return {"x": x, "c": c, "edge_index": edge_index, "W1": W1, "b1": b1,
            "gamma": gamma, "beta": beta, "W2": W2, "b2": b2, "eps": eps}


def reference(x, c, edge_index, W1, b1, gamma, beta, W2, b2, eps):
    # ColourCatter: concatenate node colour features onto node features
    h = jnp.concatenate([x, c], axis=-1)
    # GINConv (PyG): out = nn((1+eps)*x_i + sum_{j in N(i)} x_j)
    src = edge_index[0]
    dst = edge_index[1]
    msgs = jnp.take(h, src, axis=0)           # gather source-node features
    agg = jax.ops.segment_sum(msgs, dst, num_segments=h.shape[0])  # scatter-add at dst
    z = (1.0 + eps) * h + agg
    # MLP: Linear -> BatchNorm1d (training mode, batch stats) -> ReLU -> Linear
    y = z @ W1.T + b1
    mu = jnp.mean(y, axis=0)
    var = jnp.var(y, axis=0)
    yhat = (y - mu) / jnp.sqrt(var + BN_EPS)
    y = yhat * gamma + beta
    y = jnp.maximum(y, 0.0)
    out = y @ W2.T + b2
    return out

if __name__ == "__main__":
    import jax
    _d = setup_inputs()
    print(jax.jit(kernel)(*tuple(_d.values())))

</pallas_src>

<mosaic_0001>
#map = affine_map<(d0, d1) -> (0, 0)>
#map1 = affine_map<(d0, d1) -> (0, 0, 0, 0)>
#map2 = affine_map<(d0, d1) -> (0, 0, 0)>
module attributes {stable_mosaic.version = 14 : i64} {
  func.func @_sc_body(%arg0: i32, %arg1: i32, %arg2: memref<10000x128xf32, #tpu.memory_space<hbm>>, %arg3: memref<32x80x2x128xi32, #tpu.memory_space<hbm>>, %arg4: memref<632x128xf32, #tpu.memory_space<hbm>>, %arg5: memref<2x10112x128xf32, #tpu.memory_space<hbm>>, %arg6: memref<40x2x128xi32, #tpu.memory_space<vmem>>, %arg7: memref<2x128x128xf32, #tpu.memory_space<vmem>>, %arg8: memref<10112x128xf32, #tpu.memory_space<vmem_shared>>, %arg9: memref<2x!tpu.dma_semaphore, #tpu.memory_space<semaphore_mem>>, %arg10: memref<2x!tpu.dma_semaphore, #tpu.memory_space<semaphore_mem>>) attributes {dimension_semantics = [#tpu.dimension_semantics<core_parallel>, #tpu.dimension_semantics<subcore_parallel>], iteration_bounds = array<i64: 2, 16>, scalar_prefetch = 0 : i64, scratch_operands = 5 : i64, tpu.core_type = #tpu.core_type<sc_vector_subcore>, window_params = [{transform_indices = #map}, {transform_indices = #map1}, {transform_indices = #map}, {transform_indices = #map2}]} {
    %mul3A = arith.constant 16 : i32
    %mul3A_0 = arith.muli %arg0, %mul3A : i32
    %add3A = arith.addi %mul3A_0, %arg1 : i32
    %mul3A_1 = arith.constant 632 : i32
    %mul3A_2 = arith.muli %arg1, %mul3A_1 : i32
    "tpu.region"() ({
      %run_scoped3A = tpu.sem_alloc : memref<!tpu.dma_semaphore, #tpu.memory_space<semaphore_mem>>
      %dma_start3A_267 = arith.constant 0 : i32
      %dma_start3A_268 = tpu.memref_slice %arg8[%mul3A_2, %dma_start3A_267] : memref<10112x128xf32, #tpu.memory_space<vmem_shared>> -> memref<632x128xf32, #tpu.memory_space<vmem_shared>>
      tpu.enqueue_dma source(%arg4 : memref<632x128xf32, #tpu.memory_space<hbm>>) target(%dma_start3A_268 : memref<632x128xf32, #tpu.memory_space<vmem_shared>>) target_semaphore(%run_scoped3A : memref<!tpu.dma_semaphore, #tpu.memory_space<semaphore_mem>>)
      %dma_wait3A_269 = arith.constant 0 : i32
      %dma_wait3A_270 = tpu.memref_slice %arg8[%mul3A_2, %dma_wait3A_269] : memref<10112x128xf32, #tpu.memory_space<vmem_shared>> -> memref<632x128xf32, #tpu.memory_space<vmem_shared>>
      tpu.wait_dma2 semaphore(%run_scoped3A : memref<!tpu.dma_semaphore, #tpu.memory_space<semaphore_mem>>) src(%arg4 : memref<632x128xf32, #tpu.memory_space<hbm>>) dst(%dma_wait3A_270 : memref<632x128xf32, #tpu.memory_space<vmem_shared>>)
      tpu.yield
    }) : () -> ()
    %barrier3A = arith.constant 0 : index
    tpu.barrier barrier_id(%barrier3A)
    "tpu.region"() ({
      %run_scoped3A = tpu.sem_alloc : memref<!tpu.dma_semaphore, #tpu.memory_space<semaphore_mem>>
      %dma_start3A_267 = arith.constant 0 : i32
      %dma_start3A_268 = arith.constant 0 : i32
      %dma_start3A_269 = arith.constant 0 : i32
      %dma_start3A_270 = tpu.memref_slice %arg3[%add3A, %dma_start3A_267, %dma_start3A_268, %dma_start3A_269] : memref<32x80x2x128xi32, #tpu.memory_space<hbm>> -> memref<1x40x2x128xi32, #tpu.memory_space<hbm>>
      %dma_start3A_271 = tpu.memref_squeeze %dma_start3A_270 : memref<1x40x2x128xi32, #tpu.memory_space<hbm>> -> memref<40x2x128xi32, #tpu.memory_space<hbm>>
      %dma_start3A_272 = arith.constant 0 : i32
      %dma_start3A_273 = arith.constant 0 : i32
      %dma_start3A_274 = arith.constant 0 : i32
      %dma_start3A_275 = tpu.memref_slice %arg3[%add3A, %dma_start3A_272, %dma_start3A_273, %dma_start3A_274] : memref<32x80x2x128xi32, #tpu.memory_space<hbm>> -> memref<1x40x2x128xi32, #tpu.memory_space<hbm>>
      %dma_start3A_276 = tpu.memref_squeeze %dma_start3A_275 : memref<1x40x2x128xi32, #tpu.memory_space<hbm>> -> memref<40x2x128xi32, #tpu.memory_space<hbm>>
      tpu.enqueue_dma source(%dma_start3A_276 : memref<40x2x128xi32, #tpu.memory_space<hbm>>) target(%arg6 : memref<40x2x128xi32, #tpu.memory_space<vmem>>) target_semaphore(%run_scoped3A : memref<!tpu.dma_semaphore, #tpu.memory_space<semaphore_mem>>)
      %dma_wait3A_277 = arith.constant 0 : i32
      %dma_wait3A_278 = arith.constant 0 : i32
      %dma_wait3A_279 = arith.constant 0 : i32
      %dma_wait3A_280 = tpu.memref_slice %arg3[%add3A, %dma_wait3A_277, %dma_wait3A_278, %dma_wait3A_279] : memref<32x80x2x128xi32, #tpu.memory_space<hbm>> -> memref<1x40x2x128xi32, #tpu.memory_space<hbm>>
      %dma_wait3A_281 = tpu.memref_squeeze %dma_wait3A_280 : memref<1x40x2x128xi32, #tpu.memory_space<hbm>> -> memref<40x2x128xi32, #tpu.memory_space<hbm>>
      %dma_wait3A_282 = arith.constant 0 : i32
      %dma_wait3A_283 = arith.constant 0 : i32
      %dma_wait3A_284 = arith.constant 0 : i32
      %dma_wait3A_285 = tpu.memref_slice %arg3[%add3A, %dma_wait3A_282, %dma_wait3A_283, %dma_wait3A_284] : memref<32x80x2x128xi32, #tpu.memory_space<hbm>> -> memref<1x40x2x128xi32, #tpu.memory_space<hbm>>
      %dma_wait3A_286 = tpu.memref_squeeze %dma_wait3A_285 : memref<1x40x2x128xi32, #tpu.memory_space<hbm>> -> memref<40x2x128xi32, #tpu.memory_space<hbm>>
      tpu.wait_dma2 semaphore(%run_scoped3A : memref<!tpu.dma_semaphore, #tpu.memory_space<semaphore_mem>>) src(%dma_wait3A_286 : memref<40x2x128xi32, #tpu.memory_space<hbm>>) dst(%arg6 : memref<40x2x128xi32, #tpu.memory_space<vmem>>)
      tpu.yield
    }) : () -> ()
    %dma_start3A = arith.constant 0 : i32
    %dma_start3A_3 = arith.constant 0 : i32
    %dma_start3A_4 = arith.constant 0 : i32
    %dma_start3A_5 = arith.constant 0 : i32
    %dma_start3A_6 = arith.constant 0 : i32
    %dma_start3A_7 = arith.constant 0 : i32
    %dma_start3A_8 = tpu.memref_slice %arg7[%dma_start3A_4, %dma_start3A_6, %dma_start3A_7] : memref<2x128x128xf32, #tpu.memory_space<vmem>> -> memref<1x128x128xf32, #tpu.memory_space<vmem>>
    %dma_start3A_9 = tpu.memref_squeeze %dma_start3A_8 : memref<1x128x128xf32, #tpu.memory_space<vmem>> -> memref<128x128xf32, #tpu.memory_space<vmem>>
    %dma_start3A_10 = arith.constant 0 : i32
    %dma_start3A_11 = tpu.memref_slice %arg6[%dma_start3A, %dma_start3A_3, %dma_start3A_10] : memref<40x2x128xi32, #tpu.memory_space<vmem>> -> memref<1x1x128xi32, #tpu.memory_space<vmem>>
    %dma_start3A_12 = tpu.memref_squeeze %dma_start3A_11 : memref<1x1x128xi32, #tpu.memory_space<vmem>> -> memref<128xi32, #tpu.memory_space<vmem>>
    %dma_start3A_13 = arith.constant 0 : i32
    %dma_start3A_14 = arith.constant 0 : i32
    %dma_start3A_15 = tpu.memref_slice %arg2[%dma_start3A_13, %dma_start3A_14] : memref<10000x128xf32, #tpu.memory_space<hbm>> -> memref<10000x128xf32, #tpu.memory_space<hbm>>
    %dma_start3A_16 = tpu.memref_slice %arg9[%dma_start3A_5] : memref<2x!tpu.dma_semaphore, #tpu.memory_space<semaphore_mem>> -> memref<1x!tpu.dma_semaphore, #tpu.memory_space<semaphore_mem>>
    %dma_start3A_17 = tpu.memref_squeeze %dma_start3A_16 : memref<1x!tpu.dma_semaphore, #tpu.memory_space<semaphore_mem>> -> memref<!tpu.dma_semaphore, #tpu.memory_space<semaphore_mem>>
    tpu.enqueue_indirect_dma source(%dma_start3A_15 : memref<10000x128xf32, #tpu.memory_space<hbm>>) target(%dma_start3A_9 : memref<128x128xf32, #tpu.memory_space<vmem>>) offsets(%dma_start3A_12 : memref<128xi32, #tpu.memory_space<vmem>>) semaphore(%dma_start3A_17 : memref<!tpu.dma_semaphore, #tpu.memory_space<semaphore_mem>>)
    %dma_start3A_18 = arith.constant 1 : i32
    %dma_start3A_19 = arith.constant 0 : i32
    %dma_start3A_20 = arith.constant 1 : i32
    %dma_start3A_21 = arith.constant 1 : i32
    %dma_start3A_22 = arith.constant 0 : i32
    %dma_start3A_23 = arith.constant 0 : i32
    %dma_start3A_24 = tpu.memref_slice %arg7[%dma_start3A_20, %dma_start3A_22, %dma_start3A_23] : memref<2x128x128xf32, #tpu.memory_space<vmem>> -> memref<1x128x128xf32, #tpu.memory_space<vmem>>
    %dma_start3A_25 = tpu.memref_squeeze %dma_start3A_24 : memref<1x128x128xf32, #tpu.memory_space<vmem>> -> memref<128x128xf32, #tpu.memory_space<vmem>>
    %dma_start3A_26 = arith.constant 0 : i32
    %dma_start3A_27 = tpu.memref_slice %arg6[%dma_start3A_18, %dma_start3A_19, %dma_start3A_26] : memref<40x2x128xi32, #tpu.memory_space<vmem>> -> memref<1x1x128xi32, #tpu.memory_space<vmem>>
    %dma_start3A_28 = tpu.memref_squeeze %dma_start3A_27 : memref<1x1x128xi32, #tpu.memory_space<vmem>> -> memref<128xi32, #tpu.memory_space<vmem>>
    %dma_start3A_29 = arith.constant 0 : i32
    %dma_start3A_30 = arith.constant 0 : i32
    %dma_start3A_31 = tpu.memref_slice %arg2[%dma_start3A_29, %dma_start3A_30] : memref<10000x128xf32, #tpu.memory_space<hbm>> -> memref<10000x128xf32, #tpu.memory_space<hbm>>
    %dma_start3A_32 = tpu.memref_slice %arg9[%dma_start3A_21] : memref<2x!tpu.dma_semaphore, #tpu.memory_space<semaphore_mem>> -> memref<1x!tpu.dma_semaphore, #tpu.memory_space<semaphore_mem>>
    %dma_start3A_33 = tpu.memref_squeeze %dma_start3A_32 : memref<1x!tpu.dma_semaphore, #tpu.memory_space<semaphore_mem>> -> memref<!tpu.dma_semaphore, #tpu.memory_space<semaphore_mem>>
    tpu.enqueue_indirect_dma source(%dma_start3A_31 : memref<10000x128xf32, #tpu.memory_space<hbm>>) target(%dma_start3A_25 : memref<128x128xf32, #tpu.memory_space<vmem>>) offsets(%dma_start3A_28 : memref<128xi32, #tpu.memory_space<vmem>>) semaphore(%dma_start3A_33 : memref<!tpu.dma_semaphore, #tpu.memory_space<semaphore_mem>>)
    %scan3A = arith.constant 0 : i32
    %scan3A_34 = arith.constant 19 : i32
    %scan3A_35 = arith.addi %scan3A, %scan3A_34 : i32
    %scan3A_36 = arith.constant 1 : i32
    scf.for %scan3A_267 = %scan3A to %scan3A_35 step %scan3A_36  : i32 {
      %mul3A_268 = arith.constant 1 : i32
      %mul3A_269 = arith.muli %scan3A_267, %mul3A_268 : i32
      %add3A_270 = arith.constant 0 : i32
      %add3A_271 = arith.addi %add3A_270, %mul3A_269 : i32
      %mul3A_272 = arith.constant 2 : i32
      %mul3A_273 = arith.muli %add3A_271, %mul3A_272 : i32
      %dma_wait3A_274 = arith.constant 0 : i32
      %dma_wait3A_275 = arith.constant 0 : i32
      %dma_wait3A_276 = arith.constant 0 : i32
      %dma_wait3A_277 = arith.constant 0 : i32
      %dma_wait3A_278 = arith.constant 0 : i32
      %dma_wait3A_279 = arith.constant 0 : i32
      %dma_wait3A_280 = tpu.memref_slice %arg7[%dma_wait3A_276, %dma_wait3A_278, %dma_wait3A_279] : memref<2x128x128xf32, #tpu.memory_space<vmem>> -> memref<1x128x128xf32, #tpu.memory_space<vmem>>
      %dma_wait3A_281 = tpu.memref_squeeze %dma_wait3A_280 : memref<1x128x128xf32, #tpu.memory_space<vmem>> -> memref<128x128xf32, #tpu.memory_space<vmem>>
      %dma_wait3A_282 = arith.constant 0 : i32
      %dma_wait3A_283 = tpu.memref_slice %arg6[%dma_wait3A_274, %dma_wait3A_275, %dma_wait3A_282] : memref<40x2x128xi32, #tpu.memory_space<vmem>> -> memref<1x1x128xi32, #tpu.memory_space<vmem>>
      %dma_wait3A_284 = tpu.memref_squeeze %dma_wait3A_283 : memref<1x1x128xi32, #tpu.memory_space<vmem>> -> memref<128xi32, #tpu.memory_space<vmem>>
      %dma_wait3A_285 = arith.constant 0 : i32
      %dma_wait3A_286 = arith.constant 0 : i32
      %dma_wait3A_287 = tpu.memref_slice %arg2[%dma_wait3A_285, %dma_wait3A_286] : memref<10000x128xf32, #tpu.memory_space<hbm>> -> memref<10000x128xf32, #tpu.memory_space<hbm>>
      %dma_wait3A_288 = tpu.memref_slice %arg9[%dma_wait3A_277] : memref<2x!tpu.dma_semaphore, #tpu.memory_space<semaphore_mem>> -> memref<1x!tpu.dma_semaphore, #tpu.memory_space<semaphore_mem>>
      %dma_wait3A_289 = tpu.memref_squeeze %dma_wait3A_288 : memref<1x!tpu.dma_semaphore, #tpu.memory_space<semaphore_mem>> -> memref<!tpu.dma_semaphore, #tpu.memory_space<semaphore_mem>>
      tpu.wait_indirect_dma semaphore(%dma_wait3A_289 : memref<!tpu.dma_semaphore, #tpu.memory_space<semaphore_mem>>) src(%dma_wait3A_287 : memref<10000x128xf32, #tpu.memory_space<hbm>>) dst(%dma_wait3A_281 : memref<128x128xf32, #tpu.memory_space<vmem>>)
      %add3A_290 = arith.constant 0 : i32
      %add3A_291 = arith.addi %mul3A_273, %add3A_290 : i32
      %dma_start3A_292 = arith.constant 0 : i32
      %dma_start3A_293 = arith.constant 1 : i32
      %dma_start3A_294 = arith.constant 0 : i32
      %dma_start3A_295 = arith.constant 0 : i32
      %dma_start3A_296 = arith.constant 0 : i32
      %dma_start3A_297 = tpu.memref_slice %arg7[%dma_start3A_292, %dma_start3A_295, %dma_start3A_296] : memref<2x128x128xf32, #tpu.memory_space<vmem>> -> memref<1x128x128xf32, #tpu.memory_space<vmem>>
      %dma_start3A_298 = tpu.memref_squeeze %dma_start3A_297 : memref<1x128x128xf32, #tpu.memory_space<vmem>> -> memref<128x128xf32, #tpu.memory_space<vmem>>
      %dma_start3A_299 = arith.constant 0 : i32
      %dma_start3A_300 = tpu.memref_slice %arg6[%add3A_291, %dma_start3A_293, %dma_start3A_299] : memref<40x2x128xi32, #tpu.memory_space<vmem>> -> memref<1x1x128xi32, #tpu.memory_space<vmem>>
      %dma_start3A_301 = tpu.memref_squeeze %dma_start3A_300 : memref<1x1x128xi32, #tpu.memory_space<vmem>> -> memref<128xi32, #tpu.memory_space<vmem>>
      %dma_start3A_302 = arith.constant 0 : i32
      %dma_start3A_303 = arith.constant 0 : i32
      %dma_start3A_304 = tpu.memref_slice %arg8[%dma_start3A_302, %dma_start3A_303] : memref<10112x128xf32, #tpu.memory_space<vmem_shared>> -> memref<10112x128xf32, #tpu.memory_space<vmem_shared>>
      %dma_start3A_305 = tpu.memref_slice %arg10[%dma_start3A_294] : memref<2x!tpu.dma_semaphore, #tpu.memory_space<semaphore_mem>> -> memref<1x!tpu.dma_semaphore, #tpu.memory_space<semaphore_mem>>
      %dma_start3A_306 = tpu.memref_squeeze %dma_start3A_305 : memref<1x!tpu.dma_semaphore, #tpu.memory_space<semaphore_mem>> -> memref<!tpu.dma_semaphore, #tpu.memory_space<semaphore_mem>>
      tpu.enqueue_indirect_dma source(%dma_start3A_298 : memref<128x128xf32, #tpu.memory_space<vmem>>) target(%dma_start3A_304 : memref<10112x128xf32, #tpu.memory_space<vmem_shared>>) offsets(%dma_start3A_301 : memref<128xi32, #tpu.memory_space<vmem>>) semaphore(%dma_start3A_306 : memref<!tpu.dma_semaphore, #tpu.memory_space<semaphore_mem>>) {add = true}
      %dma_wait3A_307 = arith.constant 0 : i32
      %dma_wait3A_308 = arith.constant 0 : i32
      %dma_wait3A_309 = arith.constant 1 : i32
      %dma_wait3A_310 = arith.constant 0 : i32
      %dma_wait3A_311 = arith.constant 0 : i32
      %dma_wait3A_312 = arith.constant 0 : i32
      %dma_wait3A_313 = tpu.memref_slice %arg7[%dma_wait3A_307, %dma_wait3A_311, %dma_wait3A_312] : memref<2x128x128xf32, #tpu.memory_space<vmem>> -> memref<1x128x128xf32, #tpu.memory_space<vmem>>
      %dma_wait3A_314 = tpu.memref_squeeze %dma_wait3A_313 : memref<1x128x128xf32, #tpu.memory_space<vmem>> -> memref<128x128xf32, #tpu.memory_space<vmem>>
      %dma_wait3A_315 = arith.constant 0 : i32
      %dma_wait3A_316 = tpu.memref_slice %arg6[%dma_wait3A_308, %dma_wait3A_309, %dma_wait3A_315] : memref<40x2x128xi32, #tpu.memory_space<vmem>> -> memref<1x1x128xi32, #tpu.memory_space<vmem>>
      %dma_wait3A_317 = tpu.memref_squeeze %dma_wait3A_316 : memref<1x1x128xi32, #tpu.memory_space<vmem>> -> memref<128xi32, #tpu.memory_space<vmem>>
      %dma_wait3A_318 = arith.constant 0 : i32
      %dma_wait3A_319 = arith.constant 0 : i32
      %dma_wait3A_320 = tpu.memref_slice %arg8[%dma_wait3A_318, %dma_wait3A_319] : memref<10112x128xf32, #tpu.memory_space<vmem_shared>> -> memref<10112x128xf32, #tpu.memory_space<vmem_shared>>
      %dma_wait3A_321 = tpu.memref_slice %arg10[%dma_wait3A_310] : memref<2x!tpu.dma_semaphore, #tpu.memory_space<semaphore_mem>> -> memref<1x!tpu.dma_semaphore, #tpu.memory_space<semaphore_mem>>
      %dma_wait3A_322 = tpu.memref_squeeze %dma_wait3A_321 : memref<1x!tpu.dma_semaphore, #tpu.memory_space<semaphore_mem>> -> memref<!tpu.dma_semaphore, #tpu.memory_space<semaphore_mem>>
      tpu.wait_indirect_dma semaphore(%dma_wait3A_322 : memref<!tpu.dma_semaphore, #tpu.memory_space<semaphore_mem>>) src(%dma_wait3A_314 : memref<128x128xf32, #tpu.memory_space<vmem>>) dst(%dma_wait3A_320 : memref<10112x128xf32, #tpu.memory_space<vmem_shared>>)
      %add3A_323 = arith.constant 2 : i32
      %add3A_324 = arith.addi %mul3A_273, %add3A_323 : i32
      %add3A_325 = arith.constant 0 : i32
      %add3A_326 = arith.addi %add3A_324, %add3A_325 : i32
      %dma_start3A_327 = arith.constant 0 : i32
      %dma_start3A_328 = arith.constant 0 : i32
      %dma_start3A_329 = arith.constant 0 : i32
      %dma_start3A_330 = arith.constant 0 : i32
      %dma_start3A_331 = arith.constant 0 : i32
      %dma_start3A_332 = tpu.memref_slice %arg7[%dma_start3A_328, %dma_start3A_330, %dma_start3A_331] : memref<2x128x128xf32, #tpu.memory_space<vmem>> -> memref<1x128x128xf32, #tpu.memory_space<vmem>>
      %dma_start3A_333 = tpu.memref_squeeze %dma_start3A_332 : memref<1x128x128xf32, #tpu.memory_space<vmem>> -> memref<128x128xf32, #tpu.memory_space<vmem>>
      %dma_start3A_334 = arith.constant 0 : i32
      %dma_start3A_335 = tpu.memref_slice %arg6[%add3A_326, %dma_start3A_327, %dma_start3A_334] : memref<40x2x128xi32, #tpu.memory_space<vmem>> -> memref<1x1x128xi32, #tpu.memory_space<vmem>>
      %dma_start3A_336 = tpu.memref_squeeze %dma_start3A_335 : memref<1x1x128xi32, #tpu.memory_space<vmem>> -> memref<128xi32, #tpu.memory_space<vmem>>
      %dma_start3A_337 = arith.constant 0 : i32
      %dma_start3A_338 = arith.constant 0 : i32
      %dma_start3A_339 = tpu.memref_slice %arg2[%dma_start3A_337, %dma_start3A_338] : memref<10000x128xf32, #tpu.memory_space<hbm>> -> memref<10000x128xf32, #tpu.memory_space<hbm>>
      %dma_start3A_340 = tpu.memref_slice %arg9[%dma_start3A_329] : memref<2x!tpu.dma_semaphore, #tpu.memory_space<semaphore_mem>> -> memref<1x!tpu.dma_semaphore, #tpu.memory_space<semaphore_mem>>
      %dma_start3A_341 = tpu.memref_squeeze %dma_start3A_340 : memref<1x!tpu.dma_semaphore, #tpu.memory_space<semaphore_mem>> -> memref<!tpu.dma_semaphore, #tpu.memory_space<semaphore_mem>>
      tpu.enqueue_indirect_dma source(%dma_start3A_339 : memref<10000x128xf32, #tpu.memory_space<hbm>>) target(%dma_start3A_333 : memref<128x128xf32, #tpu.memory_space<vmem>>) offsets(%dma_start3A_336 : memref<128xi32, #tpu.memory_space<vmem>>) semaphore(%dma_start3A_341 : memref<!tpu.dma_semaphore, #tpu.memory_space<semaphore_mem>>)
      %dma_wait3A_342 = arith.constant 0 : i32
      %dma_wait3A_343 = arith.constant 0 : i32
      %dma_wait3A_344 = arith.constant 1 : i32
      %dma_wait3A_345 = arith.constant 1 : i32
      %dma_wait3A_346 = arith.constant 0 : i32
      %dma_wait3A_347 = arith.constant 0 : i32
      %dma_wait3A_348 = tpu.memref_slice %arg7[%dma_wait3A_344, %dma_wait3A_346, %dma_wait3A_347] : memref<2x128x128xf32, #tpu.memory_space<vmem>> -> memref<1x128x128xf32, #tpu.memory_space<vmem>>
      %dma_wait3A_349 = tpu.memref_squeeze %dma_wait3A_348 : memref<1x128x128xf32, #tpu.memory_space<vmem>> -> memref<128x128xf32, #tpu.memory_space<vmem>>
      %dma_wait3A_350 = arith.constant 0 : i32
      %dma_wait3A_351 = tpu.memref_slice %arg6[%dma_wait3A_342, %dma_wait3A_343, %dma_wait3A_350] : memref<40x2x128xi32, #tpu.memory_space<vmem>> -> memref<1x1x128xi32, #tpu.memory_space<vmem>>
      %dma_wait3A_352 = tpu.memref_squeeze %dma_wait3A_351 : memref<1x1x128xi32, #tpu.memory_space<vmem>> -> memref<128xi32, #tpu.memory_space<vmem>>
      %dma_wait3A_353 = arith.constant 0 : i32
      %dma_wait3A_354 = arith.constant 0 : i32
      %dma_wait3A_355 = tpu.memref_slice %arg2[%dma_wait3A_353, %dma_wait3A_354] : memref<10000x128xf32, #tpu.memory_space<hbm>> -> memref<10000x128xf32, #tpu.memory_space<hbm>>
      %dma_wait3A_356 = tpu.memref_slice %arg9[%dma_wait3A_345] : memref<2x!tpu.dma_semaphore, #tpu.memory_space<semaphore_mem>> -> memref<1x!tpu.dma_semaphore, #tpu.memory_space<semaphore_mem>>
      %dma_wait3A_357 = tpu.memref_squeeze %dma_wait3A_356 : memref<1x!tpu.dma_semaphore, #tpu.memory_space<semaphore_mem>> -> memref<!tpu.dma_semaphore, #tpu.memory_space<semaphore_mem>>
      tpu.wait_indirect_dma semaphore(%dma_wait3A_357 : memref<!tpu.dma_semaphore, #tpu.memory_space<semaphore_mem>>) src(%dma_wait3A_355 : memref<10000x128xf32, #tpu.memory_space<hbm>>) dst(%dma_wait3A_349 : memref<128x128xf32, #tpu.memory_space<vmem>>)
      %add3A_358 = arith.constant 1 : i32
      %add3A_359 = arith.addi %mul3A_273, %add3A_358 : i32
      %dma_start3A_360 = arith.constant 1 : i32
      %dma_start3A_361 = arith.constant 1 : i32
      %dma_start3A_362 = arith.constant 1 : i32
      %dma_start3A_363 = arith.constant 0 : i32
      %dma_start3A_364 = arith.constant 0 : i32
      %dma_start3A_365 = tpu.memref_slice %arg7[%dma_start3A_360, %dma_start3A_363, %dma_start3A_364] : memref<2x128x128xf32, #tpu.memory_space<vmem>> -> memref<1x128x128xf32, #tpu.memory_space<vmem>>
      %dma_start3A_366 = tpu.memref_squeeze %dma_start3A_365 : memref<1x128x128xf32, #tpu.memory_space<vmem>> -> memref<128x128xf32, #tpu.memory_space<vmem>>
      %dma_start3A_367 = arith.constant 0 : i32
      %dma_start3A_368 = tpu.memref_slice %arg6[%add3A_359, %dma_start3A_361, %dma_start3A_367] : memref<40x2x128xi32, #tpu.memory_space<vmem>> -> memref<1x1x128xi32, #tpu.memory_space<vmem>>
      %dma_start3A_369 = tpu.memref_squeeze %dma_start3A_368 : memref<1x1x128xi32, #tpu.memory_space<vmem>> -> memref<128xi32, #tpu.memory_space<vmem>>
      %dma_start3A_370 = arith.constant 0 : i32
      %dma_start3A_371 = arith.constant 0 : i32
      %dma_start3A_372 = tpu.memref_slice %arg8[%dma_start3A_370, %dma_start3A_371] : memref<10112x128xf32, #tpu.memory_space<vmem_shared>> -> memref<10112x128xf32, #tpu.memory_space<vmem_shared>>
      %dma_start3A_373 = tpu.memref_slice %arg10[%dma_start3A_362] : memref<2x!tpu.dma_semaphore, #tpu.memory_space<semaphore_mem>> -> memref<1x!tpu.dma_semaphore, #tpu.memory_space<semaphore_mem>>
      %dma_start3A_374 = tpu.memref_squeeze %dma_start3A_373 : memref<1x!tpu.dma_semaphore, #tpu.memory_space<semaphore_mem>> -> memref<!tpu.dma_semaphore, #tpu.memory_space<semaphore_mem>>
      tpu.enqueue_indirect_dma source(%dma_start3A_366 : memref<128x128xf32, #tpu.memory_space<vmem>>) target(%dma_start3A_372 : memref<10112x128xf32, #tpu.memory_space<vmem_shared>>) offsets(%dma_start3A_369 : memref<128xi32, #tpu.memory_space<vmem>>) semaphore(%dma_start3A_374 : memref<!tpu.dma_semaphore, #tpu.memory_space<semaphore_mem>>) {add = true}
      %dma_wait3A_375 = arith.constant 1 : i32
      %dma_wait3A_376 = arith.constant 0 : i32
      %dma_wait3A_377 = arith.constant 1 : i32
      %dma_wait3A_378 = arith.constant 1 : i32
      %dma_wait3A_379 = arith.constant 0 : i32
      %dma_wait3A_380 = arith.constant 0 : i32
      %dma_wait3A_381 = tpu.memref_slice %arg7[%dma_wait3A_375, %dma_wait3A_379, %dma_wait3A_380] : memref<2x128x128xf32, #tpu.memory_space<vmem>> -> memref<1x128x128xf32, #tpu.memory_space<vmem>>
      %dma_wait3A_382 = tpu.memref_squeeze %dma_wait3A_381 : memref<1x128x128xf32, #tpu.memory_space<vmem>> -> memref<128x128xf32, #tpu.memory_space<vmem>>
      %dma_wait3A_383 = arith.constant 0 : i32
      %dma_wait3A_384 = tpu.memref_slice %arg6[%dma_wait3A_376, %dma_wait3A_377, %dma_wait3A_383] : memref<40x2x128xi32, #tpu.memory_space<vmem>> -> memref<1x1x128xi32, #tpu.memory_space<vmem>>
      %dma_wait3A_385 = tpu.memref_squeeze %dma_wait3A_384 : memref<1x1x128xi32, #tpu.memory_space<vmem>> -> memref<128xi32, #tpu.memory_space<vmem>>
      %dma_wait3A_386 = arith.constant 0 : i32
      %dma_wait3A_387 = arith.constant 0 : i32
      %dma_wait3A_388 = tpu.memref_slice %arg8[%dma_wait3A_386, %dma_wait3A_387] : memref<10112x128xf32, #tpu.memory_space<vmem_shared>> -> memref<10112x128xf32, #tpu.memory_space<vmem_shared>>
      %dma_wait3A_389 = tpu.memref_slice %arg10[%dma_wait3A_378] : memref<2x!tpu.dma_semaphore, #tpu.memory_space<semaphore_mem>> -> memref<1x!tpu.dma_semaphore, #tpu.memory_space<semaphore_mem>>
      %dma_wait3A_390 = tpu.memref_squeeze %dma_wait3A_389 : memref<1x!tpu.dma_semaphore, #tpu.memory_space<semaphore_mem>> -> memref<!tpu.dma_semaphore, #tpu.memory_space<semaphore_mem>>
      tpu.wait_indirect_dma semaphore(%dma_wait3A_390 : memref<!tpu.dma_semaphore, #tpu.memory_space<semaphore_mem>>) src(%dma_wait3A_382 : memref<128x128xf32, #tpu.memory_space<vmem>>) dst(%dma_wait3A_388 : memref<10112x128xf32, #tpu.memory_space<vmem_shared>>)
      %add3A_391 = arith.constant 2 : i32
      %add3A_392 = arith.addi %mul3A_273, %add3A_391 : i32
      %add3A_393 = arith.constant 1 : i32
      %add3A_394 = arith.addi %add3A_392, %add3A_393 : i32
      %dma_start3A_395 = arith.constant 0 : i32
      %dma_start3A_396 = arith.constant 1 : i32
      %dma_start3A_397 = arith.constant 1 : i32
      %dma_start3A_398 = arith.constant 0 : i32
      %dma_start3A_399 = arith.constant 0 : i32
      %dma_start3A_400 = tpu.memref_slice %arg7[%dma_start3A_396, %dma_start3A_398, %dma_start3A_399] : memref<2x128x128xf32, #tpu.memory_space<vmem>> -> memref<1x128x128xf32, #tpu.memory_space<vmem>>
      %dma_start3A_401 = tpu.memref_squeeze %dma_start3A_400 : memref<1x128x128xf32, #tpu.memory_space<vmem>> -> memref<128x128xf32, #tpu.memory_space<vmem>>
      %dma_start3A_402 = arith.constant 0 : i32
      %dma_start3A_403 = tpu.memref_slice %arg6[%add3A_394, %dma_start3A_395, %dma_start3A_402] : memref<40x2x128xi32, #tpu.memory_space<vmem>> -> memref<1x1x128xi32, #tpu.memory_space<vmem>>
      %dma_start3A_404 = tpu.memref_squeeze %dma_start3A_403 : memref<1x1x128xi32, #tpu.memory_space<vmem>> -> memref<128xi32, #tpu.memory_space<vmem>>
      %dma_start3A_405 = arith.constant 0 : i32
      %dma_start3A_406 = arith.constant 0 : i32
      %dma_start3A_407 = tpu.memref_slice %arg2[%dma_start3A_405, %dma_start3A_406] : memref<10000x128xf32, #tpu.memory_space<hbm>> -> memref<10000x128xf32, #tpu.memory_space<hbm>>
      %dma_start3A_408 = tpu.memref_slice %arg9[%dma_start3A_397] : memref<2x!tpu.dma_semaphore, #tpu.memory_space<semaphore_mem>> -> memref<1x!tpu.dma_semaphore, #tpu.memory_space<semaphore_mem>>
      %dma_start3A_409 = tpu.memref_squeeze %dma_start3A_408 : memref<1x!tpu.dma_semaphore, #tpu.memory_space<semaphore_mem>> -> memref<!tpu.dma_semaphore, #tpu.memory_space<semaphore_mem>>
      tpu.enqueue_indirect_dma source(%dma_start3A_407 : memref<10000x128xf32, #tpu.memory_space<hbm>>) target(%dma_start3A_401 : memref<128x128xf32, #tpu.memory_space<vmem>>) offsets(%dma_start3A_404 : memref<128xi32, #tpu.memory_space<vmem>>) semaphore(%dma_start3A_409 : memref<!tpu.dma_semaphore, #tpu.memory_space<semaphore_mem>>)
    }
    %scan3A_37 = arith.constant 19 : i32
    %dma_wait3A = arith.constant 0 : i32
    %dma_wait3A_38 = arith.constant 0 : i32
    %dma_wait3A_39 = arith.constant 0 : i32
    %dma_wait3A_40 = arith.constant 0 : i32
    %dma_wait3A_41 = arith.constant 0 : i32
    %dma_wait3A_42 = arith.constant 0 : i32
    %dma_wait3A_43 = tpu.memref_slice %arg7[%dma_wait3A_39, %dma_wait3A_41, %dma_wait3A_42] : memref<2x128x128xf32, #tpu.memory_space<vmem>> -> memref<1x128x128xf32, #tpu.memory_space<vmem>>
    %dma_wait3A_44 = tpu.memref_squeeze %dma_wait3A_43 : memref<1x128x128xf32, #tpu.memory_space<vmem>> -> memref<128x128xf32, #tpu.memory_space<vmem>>
    %dma_wait3A_45 = arith.constant 0 : i32
    %dma_wait3A_46 = tpu.memref_slice %arg6[%dma_wait3A, %dma_wait3A_38, %dma_wait3A_45] : memref<40x2x128xi32, #tpu.memory_space<vmem>> -> memref<1x1x128xi32, #tpu.memory_space<vmem>>
    %dma_wait3A_47 = tpu.memref_squeeze %dma_wait3A_46 : memref<1x1x128xi32, #tpu.memory_space<vmem>> -> memref<128xi32, #tpu.memory_space<vmem>>
    %dma_wait3A_48 = arith.constant 0 : i32
    %dma_wait3A_49 = arith.constant 0 : i32
    %dma_wait3A_50 = tpu.memref_slice %arg2[%dma_wait3A_48, %dma_wait3A_49] : memref<10000x128xf32, #tpu.memory_space<hbm>> -> memref<10000x128xf32, #tpu.memory_space<hbm>>
    %dma_wait3A_51 = tpu.memref_slice %arg9[%dma_wait3A_40] : memref<2x!tpu.dma_semaphore, #tpu.memory_space<semaphore_mem>> -> memref<1x!tpu.dma_semaphore, #tpu.memory_space<semaphore_mem>>
    %dma_wait3A_52 = tpu.memref_squeeze %dma_wait3A_51 : memref<1x!tpu.dma_semaphore, #tpu.memory_space<semaphore_mem>> -> memref<!tpu.dma_semaphore, #tpu.memory_space<semaphore_mem>>
    tpu.wait_indirect_dma semaphore(%dma_wait3A_52 : memref<!tpu.dma_semaphore, #tpu.memory_space<semaphore_mem>>) src(%dma_wait3A_50 : memref<10000x128xf32, #tpu.memory_space<hbm>>) dst(%dma_wait3A_44 : memref<128x128xf32, #tpu.memory_space<vmem>>)
    %dma_start3A_53 = arith.constant 0 : i32
    %dma_start3A_54 = arith.constant 38 : i32
    %dma_start3A_55 = arith.constant 1 : i32
    %dma_start3A_56 = arith.constant 0 : i32
    %dma_start3A_57 = arith.constant 0 : i32
    %dma_start3A_58 = arith.constant 0 : i32
    %dma_start3A_59 = tpu.memref_slice %arg7[%dma_start3A_53, %dma_start3A_57, %dma_start3A_58] : memref<2x128x128xf32, #tpu.memory_space<vmem>> -> memref<1x128x128xf32, #tpu.memory_space<vmem>>
    %dma_start3A_60 = tpu.memref_squeeze %dma_start3A_59 : memref<1x128x128xf32, #tpu.memory_space<vmem>> -> memref<128x128xf32, #tpu.memory_space<vmem>>
    %dma_start3A_61 = arith.constant 0 : i32
    %dma_start3A_62 = tpu.memref_slice %arg6[%dma_start3A_54, %dma_start3A_55, %dma_start3A_61] : memref<40x2x128xi32, #tpu.memory_space<vmem>> -> memref<1x1x128xi32, #tpu.memory_space<vmem>>
    %dma_start3A_63 = tpu.memref_squeeze %dma_start3A_62 : memref<1x1x128xi32, #tpu.memory_space<vmem>> -> memref<128xi32, #tpu.memory_space<vmem>>
    %dma_start3A_64 = arith.constant 0 : i32
    %dma_start3A_65 = arith.constant 0 : i32
    %dma_start3A_66 = tpu.memref_slice %arg8[%dma_start3A_64, %dma_start3A_65] : memref<10112x128xf32, #tpu.memory_space<vmem_shared>> -> memref<10112x128xf32, #tpu.memory_space<vmem_shared>>
    %dma_start3A_67 = tpu.memref_slice %arg10[%dma_start3A_56] : memref<2x!tpu.dma_semaphore, #tpu.memory_space<semaphore_mem>> -> memref<1x!tpu.dma_semaphore, #tpu.memory_space<semaphore_mem>>
    %dma_start3A_68 = tpu.memref_squeeze %dma_start3A_67 : memref<1x!tpu.dma_semaphore, #tpu.memory_space<semaphore_mem>> -> memref<!tpu.dma_semaphore, #tpu.memory_space<semaphore_mem>>
    tpu.enqueue_indirect_dma source(%dma_start3A_60 : memref<128x128xf32, #tpu.memory_space<vmem>>) target(%dma_start3A_66 : memref<10112x128xf32, #tpu.memory_space<vmem_shared>>) offsets(%dma_start3A_63 : memref<128xi32, #tpu.memory_space<vmem>>) semaphore(%dma_start3A_68 : memref<!tpu.dma_semaphore, #tpu.memory_space<semaphore_mem>>) {add = true}
    %dma_wait3A_69 = arith.constant 0 : i32
    %dma_wait3A_70 = arith.constant 0 : i32
    %dma_wait3A_71 = arith.constant 1 : i32
    %dma_wait3A_72 = arith.constant 1 : i32
    %dma_wait3A_73 = arith.constant 0 : i32
    %dma_wait3A_74 = arith.constant 0 : i32
    %dma_wait3A_75 = tpu.memref_slice %arg7[%dma_wait3A_71, %dma_wait3A_73, %dma_wait3A_74] : memref<2x128x128xf32, #tpu.memory_space<vmem>> -> memref<1x128x128xf32, #tpu.memory_space<vmem>>
    %dma_wait3A_76 = tpu.memref_squeeze %dma_wait3A_75 : memref<1x128x128xf32, #tpu.memory_space<vmem>> -> memref<128x128xf32, #tpu.memory_space<vmem>>
    %dma_wait3A_77 = arith.constant 0 : i32
    %dma_wait3A_78 = tpu.memref_slice %arg6[%dma_wait3A_69, %dma_wait3A_70, %dma_wait3A_77] : memref<40x2x128xi32, #tpu.memory_space<vmem>> -> memref<1x1x128xi32, #tpu.memory_space<vmem>>
    %dma_wait3A_79 = tpu.memref_squeeze %dma_wait3A_78 : memref<1x1x128xi32, #tpu.memory_space<vmem>> -> memref<128xi32, #tpu.memory_space<vmem>>
    %dma_wait3A_80 = arith.constant 0 : i32
    %dma_wait3A_81 = arith.constant 0 : i32
    %dma_wait3A_82 = tpu.memref_slice %arg2[%dma_wait3A_80, %dma_wait3A_81] : memref<10000x128xf32, #tpu.memory_space<hbm>> -> memref<10000x128xf32, #tpu.memory_space<hbm>>
    %dma_wait3A_83 = tpu.memref_slice %arg9[%dma_wait3A_72] : memref<2x!tpu.dma_semaphore, #tpu.memory_space<semaphore_mem>> -> memref<1x!tpu.dma_semaphore, #tpu.memory_space<semaphore_mem>>
    %dma_wait3A_84 = tpu.memref_squeeze %dma_wait3A_83 : memref<1x!tpu.dma_semaphore, #tpu.memory_space<semaphore_mem>> -> memref<!tpu.dma_semaphore, #tpu.memory_space<semaphore_mem>>
    tpu.wait_indirect_dma semaphore(%dma_wait3A_84 : memref<!tpu.dma_semaphore, #tpu.memory_space<semaphore_mem>>) src(%dma_wait3A_82 : memref<10000x128xf32, #tpu.memory_space<hbm>>) dst(%dma_wait3A_76 : memref<128x128xf32, #tpu.memory_space<vmem>>)
    %dma_start3A_85 = arith.constant 1 : i32
    %dma_start3A_86 = arith.constant 39 : i32
    %dma_start3A_87 = arith.constant 1 : i32
    %dma_start3A_88 = arith.constant 1 : i32
    %dma_start3A_89 = arith.constant 0 : i32
    %dma_start3A_90 = arith.constant 0 : i32
    %dma_start3A_91 = tpu.memref_slice %arg7[%dma_start3A_85, %dma_start3A_89, %dma_start3A_90] : memref<2x128x128xf32, #tpu.memory_space<vmem>> -> memref<1x128x128xf32, #tpu.memory_space<vmem>>
    %dma_start3A_92 = tpu.memref_squeeze %dma_start3A_91 : memref<1x128x128xf32, #tpu.memory_space<vmem>> -> memref<128x128xf32, #tpu.memory_space<vmem>>
    %dma_start3A_93 = arith.constant 0 : i32
    %dma_start3A_94 = tpu.memref_slice %arg6[%dma_start3A_86, %dma_start3A_87, %dma_start3A_93] : memref<40x2x128xi32, #tpu.memory_space<vmem>> -> memref<1x1x128xi32, #tpu.memory_space<vmem>>
    %dma_start3A_95 = tpu.memref_squeeze %dma_start3A_94 : memref<1x1x128xi32, #tpu.memory_space<vmem>> -> memref<128xi32, #tpu.memory_space<vmem>>
    %dma_start3A_96 = arith.constant 0 : i32
    %dma_start3A_97 = arith.constant 0 : i32
    %dma_start3A_98 = tpu.memref_slice %arg8[%dma_start3A_96, %dma_start3A_97] : memref<10112x128xf32, #tpu.memory_space<vmem_shared>> -> memref<10112x128xf32, #tpu.memory_space<vmem_shared>>
    %dma_start3A_99 = tpu.memref_slice %arg10[%dma_start3A_88] : memref<2x!tpu.dma_semaphore, #tpu.memory_space<semaphore_mem>> -> memref<1x!tpu.dma_semaphore, #tpu.memory_space<semaphore_mem>>
    %dma_start3A_100 = tpu.memref_squeeze %dma_start3A_99 : memref<1x!tpu.dma_semaphore, #tpu.memory_space<semaphore_mem>> -> memref<!tpu.dma_semaphore, #tpu.memory_space<semaphore_mem>>
    tpu.enqueue_indirect_dma source(%dma_start3A_92 : memref<128x128xf32, #tpu.memory_space<vmem>>) target(%dma_start3A_98 : memref<10112x128xf32, #tpu.memory_space<vmem_shared>>) offsets(%dma_start3A_95 : memref<128xi32, #tpu.memory_space<vmem>>) semaphore(%dma_start3A_100 : memref<!tpu.dma_semaphore, #tpu.memory_space<semaphore_mem>>) {add = true}
    %dma_wait3A_101 = arith.constant 0 : i32
    %dma_wait3A_102 = arith.constant 0 : i32
    %dma_wait3A_103 = arith.constant 1 : i32
    %dma_wait3A_104 = arith.constant 0 : i32
    %dma_wait3A_105 = arith.constant 0 : i32
    %dma_wait3A_106 = arith.constant 0 : i32
    %dma_wait3A_107 = tpu.memref_slice %arg7[%dma_wait3A_101, %dma_wait3A_105, %dma_wait3A_106] : memref<2x128x128xf32, #tpu.memory_space<vmem>> -> memref<1x128x128xf32, #tpu.memory_space<vmem>>
    %dma_wait3A_108 = tpu.memref_squeeze %dma_wait3A_107 : memref<1x128x128xf32, #tpu.memory_space<vmem>> -> memref<128x128xf32, #tpu.memory_space<vmem>>
    %dma_wait3A_109 = arith.constant 0 : i32
    %dma_wait3A_110 = tpu.memref_slice %arg6[%dma_wait3A_102, %dma_wait3A_103, %dma_wait3A_109] : memref<40x2x128xi32, #tpu.memory_space<vmem>> -> memref<1x1x128xi32, #tpu.memory_space<vmem>>
    %dma_wait3A_111 = tpu.memref_squeeze %dma_wait3A_110 : memref<1x1x128xi32, #tpu.memory_space<vmem>> -> memref<128xi32, #tpu.memory_space<vmem>>
    %dma_wait3A_112 = arith.constant 0 : i32
    %dma_wait3A_113 = arith.constant 0 : i32
    %dma_wait3A_114 = tpu.memref_slice %arg8[%dma_wait3A_112, %dma_wait3A_113] : memref<10112x128xf32, #tpu.memory_space<vmem_shared>> -> memref<10112x128xf32, #tpu.memory_space<vmem_shared>>
    %dma_wait3A_115 = tpu.memref_slice %arg10[%dma_wait3A_104] : memref<2x!tpu.dma_semaphore, #tpu.memory_space<semaphore_mem>> -> memref<1x!tpu.dma_semaphore, #tpu.memory_space<semaphore_mem>>
    %dma_wait3A_116 = tpu.memref_squeeze %dma_wait3A_115 : memref<1x!tpu.dma_semaphore, #tpu.memory_space<semaphore_mem>> -> memref<!tpu.dma_semaphore, #tpu.memory_space<semaphore_mem>>
    tpu.wait_indirect_dma semaphore(%dma_wait3A_116 : memref<!tpu.dma_semaphore, #tpu.memory_space<semaphore_mem>>) src(%dma_wait3A_108 : memref<128x128xf32, #tpu.memory_space<vmem>>) dst(%dma_wait3A_114 : memref<10112x128xf32, #tpu.memory_space<vmem_shared>>)
    %dma_wait3A_117 = arith.constant 1 : i32
    %dma_wait3A_118 = arith.constant 0 : i32
    %dma_wait3A_119 = arith.constant 1 : i32
    %dma_wait3A_120 = arith.constant 1 : i32
    %dma_wait3A_121 = arith.constant 0 : i32
    %dma_wait3A_122 = arith.constant 0 : i32
    %dma_wait3A_123 = tpu.memref_slice %arg7[%dma_wait3A_117, %dma_wait3A_121, %dma_wait3A_122] : memref<2x128x128xf32, #tpu.memory_space<vmem>> -> memref<1x128x128xf32, #tpu.memory_space<vmem>>
    %dma_wait3A_124 = tpu.memref_squeeze %dma_wait3A_123 : memref<1x128x128xf32, #tpu.memory_space<vmem>> -> memref<128x128xf32, #tpu.memory_space<vmem>>
    %dma_wait3A_125 = arith.constant 0 : i32
    %dma_wait3A_126 = tpu.memref_slice %arg6[%dma_wait3A_118, %dma_wait3A_119, %dma_wait3A_125] : memref<40x2x128xi32, #tpu.memory_space<vmem>> -> memref<1x1x128xi32, #tpu.memory_space<vmem>>
    %dma_wait3A_127 = tpu.memref_squeeze %dma_wait3A_126 : memref<1x1x128xi32, #tpu.memory_space<vmem>> -> memref<128xi32, #tpu.memory_space<vmem>>
    %dma_wait3A_128 = arith.constant 0 : i32
    %dma_wait3A_129 = arith.constant 0 : i32
    %dma_wait3A_130 = tpu.memref_slice %arg8[%dma_wait3A_128, %dma_wait3A_129] : memref<10112x128xf32, #tpu.memory_space<vmem_shared>> -> memref<10112x128xf32, #tpu.memory_space<vmem_shared>>
    %dma_wait3A_131 = tpu.memref_slice %arg10[%dma_wait3A_120] : memref<2x!tpu.dma_semaphore, #tpu.memory_space<semaphore_mem>> -> memref<1x!tpu.dma_semaphore, #tpu.memory_space<semaphore_mem>>
    %dma_wait3A_132 = tpu.memref_squeeze %dma_wait3A_131 : memref<1x!tpu.dma_semaphore, #tpu.memory_space<semaphore_mem>> -> memref<!tpu.dma_semaphore, #tpu.memory_space<semaphore_mem>>
    tpu.wait_indirect_dma semaphore(%dma_wait3A_132 : memref<!tpu.dma_semaphore, #tpu.memory_space<semaphore_mem>>) src(%dma_wait3A_124 : memref<128x128xf32, #tpu.memory_space<vmem>>) dst(%dma_wait3A_130 : memref<10112x128xf32, #tpu.memory_space<vmem_shared>>)
    "tpu.region"() ({
      %run_scoped3A = tpu.sem_alloc : memref<!tpu.dma_semaphore, #tpu.memory_space<semaphore_mem>>
      %dma_start3A_267 = arith.constant 40 : i32
      %dma_start3A_268 = arith.constant 0 : i32
      %dma_start3A_269 = arith.constant 0 : i32
      %dma_start3A_270 = tpu.memref_slice %arg3[%add3A, %dma_start3A_267, %dma_start3A_268, %dma_start3A_269] : memref<32x80x2x128xi32, #tpu.memory_space<hbm>> -> memref<1x40x2x128xi32, #tpu.memory_space<hbm>>
      %dma_start3A_271 = tpu.memref_squeeze %dma_start3A_270 : memref<1x40x2x128xi32, #tpu.memory_space<hbm>> -> memref<40x2x128xi32, #tpu.memory_space<hbm>>
      %dma_start3A_272 = arith.constant 40 : i32
      %dma_start3A_273 = arith.constant 0 : i32
      %dma_start3A_274 = arith.constant 0 : i32
      %dma_start3A_275 = tpu.memref_slice %arg3[%add3A, %dma_start3A_272, %dma_start3A_273, %dma_start3A_274] : memref<32x80x2x128xi32, #tpu.memory_space<hbm>> -> memref<1x40x2x128xi32, #tpu.memory_space<hbm>>
      %dma_start3A_276 = tpu.memref_squeeze %dma_start3A_275 : memref<1x40x2x128xi32, #tpu.memory_space<hbm>> -> memref<40x2x128xi32, #tpu.memory_space<hbm>>
      tpu.enqueue_dma source(%dma_start3A_276 : memref<40x2x128xi32, #tpu.memory_space<hbm>>) target(%arg6 : memref<40x2x128xi32, #tpu.memory_space<vmem>>) target_semaphore(%run_scoped3A : memref<!tpu.dma_semaphore, #tpu.memory_space<semaphore_mem>>)
      %dma_wait3A_277 = arith.constant 40 : i32
      %dma_wait3A_278 = arith.constant 0 : i32
      %dma_wait3A_279 = arith.constant 0 : i32
      %dma_wait3A_280 = tpu.memref_slice %arg3[%add3A, %dma_wait3A_277, %dma_wait3A_278, %dma_wait3A_279] : memref<32x80x2x128xi32, #tpu.memory_space<hbm>> -> memref<1x40x2x128xi32, #tpu.memory_space<hbm>>
      %dma_wait3A_281 = tpu.memref_squeeze %dma_wait3A_280 : memref<1x40x2x128xi32, #tpu.memory_space<hbm>> -> memref<40x2x128xi32, #tpu.memory_space<hbm>>
      %dma_wait3A_282 = arith.constant 40 : i32
      %dma_wait3A_283 = arith.constant 0 : i32
      %dma_wait3A_284 = arith.constant 0 : i32
      %dma_wait3A_285 = tpu.memref_slice %arg3[%add3A, %dma_wait3A_282, %dma_wait3A_283, %dma_wait3A_284] : memref<32x80x2x128xi32, #tpu.memory_space<hbm>> -> memref<1x40x2x128xi32, #tpu.memory_space<hbm>>
      %dma_wait3A_286 = tpu.memref_squeeze %dma_wait3A_285 : memref<1x40x2x128xi32, #tpu.memory_space<hbm>> -> memref<40x2x128xi32, #tpu.memory_space<hbm>>
      tpu.wait_dma2 semaphore(%run_scoped3A : memref<!tpu.dma_semaphore, #tpu.memory_space<semaphore_mem>>) src(%dma_wait3A_286 : memref<40x2x128xi32, #tpu.memory_space<hbm>>) dst(%arg6 : memref<40x2x128xi32, #tpu.memory_space<vmem>>)
      tpu.yield
    }) : () -> ()
    %dma_start3A_133 = arith.constant 0 : i32
    %dma_start3A_134 = arith.constant 0 : i32
    %dma_start3A_135 = arith.constant 0 : i32
    %dma_start3A_136 = arith.constant 0 : i32
    %dma_start3A_137 = arith.constant 0 : i32
    %dma_start3A_138 = arith.constant 0 : i32
    %dma_start3A_139 = tpu.memref_slice %arg7[%dma_start3A_135, %dma_start3A_137, %dma_start3A_138] : memref<2x128x128xf32, #tpu.memory_space<vmem>> -> memref<1x128x128xf32, #tpu.memory_space<vmem>>
    %dma_start3A_140 = tpu.memref_squeeze %dma_start3A_139 : memref<1x128x128xf32, #tpu.memory_space<vmem>> -> memref<128x128xf32, #tpu.memory_space<vmem>>
    %dma_start3A_141 = arith.constant 0 : i32
    %dma_start3A_142 = tpu.memref_slice %arg6[%dma_start3A_133, %dma_start3A_134, %dma_start3A_141] : memref<40x2x128xi32, #tpu.memory_space<vmem>> -> memref<1x1x128xi32, #tpu.memory_space<vmem>>
    %dma_start3A_143 = tpu.memref_squeeze %dma_start3A_142 : memref<1x1x128xi32, #tpu.memory_space<vmem>> -> memref<128xi32, #tpu.memory_space<vmem>>
    %dma_start3A_144 = arith.constant 0 : i32
    %dma_start3A_145 = arith.constant 0 : i32
    %dma_start3A_146 = tpu.memref_slice %arg2[%dma_start3A_144, %dma_start3A_145] : memref<10000x128xf32, #tpu.memory_space<hbm>> -> memref<10000x128xf32, #tpu.memory_space<hbm>>
    %dma_start3A_147 = tpu.memref_slice %arg9[%dma_start3A_136] : memref<2x!tpu.dma_semaphore, #tpu.memory_space<semaphore_mem>> -> memref<1x!tpu.dma_semaphore, #tpu.memory_space<semaphore_mem>>
    %dma_start3A_148 = tpu.memref_squeeze %dma_start3A_147 : memref<1x!tpu.dma_semaphore, #tpu.memory_space<semaphore_mem>> -> memref<!tpu.dma_semaphore, #tpu.memory_space<semaphore_mem>>
    tpu.enqueue_indirect_dma source(%dma_start3A_146 : memref<10000x128xf32, #tpu.memory_space<hbm>>) target(%dma_start3A_140 : memref<128x128xf32, #tpu.memory_space<vmem>>) offsets(%dma_start3A_143 : memref<128xi32, #tpu.memory_space<vmem>>) semaphore(%dma_start3A_148 : memref<!tpu.dma_semaphore, #tpu.memory_space<semaphore_mem>>)
    %dma_start3A_149 = arith.constant 1 : i32
    %dma_start3A_150 = arith.constant 0 : i32
    %dma_start3A_151 = arith.constant 1 : i32
    %dma_start3A_152 = arith.constant 1 : i32
    %dma_start3A_153 = arith.constant 0 : i32
    %dma_start3A_154 = arith.constant 0 : i32
    %dma_start3A_155 = tpu.memref_slice %arg7[%dma_start3A_151, %dma_start3A_153, %dma_start3A_154] : memref<2x128x128xf32, #tpu.memory_space<vmem>> -> memref<1x128x128xf32, #tpu.memory_space<vmem>>
    %dma_start3A_156 = tpu.memref_squeeze %dma_start3A_155 : memref<1x128x128xf32, #tpu.memory_space<vmem>> -> memref<128x128xf32, #tpu.memory_space<vmem>>
    %dma_start3A_157 = arith.constant 0 : i32
    %dma_start3A_158 = tpu.memref_slice %arg6[%dma_start3A_149, %dma_start3A_150, %dma_start3A_157] : memref<40x2x128xi32, #tpu.memory_space<vmem>> -> memref<1x1x128xi32, #tpu.memory_space<vmem>>
    %dma_start3A_159 = tpu.memref_squeeze %dma_start3A_158 : memref<1x1x128xi32, #tpu.memory_space<vmem>> -> memref<128xi32, #tpu.memory_space<vmem>>
    %dma_start3A_160 = arith.constant 0 : i32
    %dma_start3A_161 = arith.constant 0 : i32
    %dma_start3A_162 = tpu.memref_slice %arg2[%dma_start3A_160, %dma_start3A_161] : memref<10000x128xf32, #tpu.memory_space<hbm>> -> memref<10000x128xf32, #tpu.memory_space<hbm>>
    %dma_start3A_163 = tpu.memref_slice %arg9[%dma_start3A_152] : memref<2x!tpu.dma_semaphore, #tpu.memory_space<semaphore_mem>> -> memref<1x!tpu.dma_semaphore, #tpu.memory_space<semaphore_mem>>
    %dma_start3A_164 = tpu.memref_squeeze %dma_start3A_163 : memref<1x!tpu.dma_semaphore, #tpu.memory_space<semaphore_mem>> -> memref<!tpu.dma_semaphore, #tpu.memory_space<semaphore_mem>>
    tpu.enqueue_indirect_dma source(%dma_start3A_162 : memref<10000x128xf32, #tpu.memory_space<hbm>>) target(%dma_start3A_156 : memref<128x128xf32, #tpu.memory_space<vmem>>) offsets(%dma_start3A_159 : memref<128xi32, #tpu.memory_space<vmem>>) semaphore(%dma_start3A_164 : memref<!tpu.dma_semaphore, #tpu.memory_space<semaphore_mem>>)
    %scan3A_165 = arith.constant 0 : i32
    %scan3A_166 = arith.constant 19 : i32
    %scan3A_167 = arith.addi %scan3A_165, %scan3A_166 : i32
    %scan3A_168 = arith.constant 1 : i32
    scf.for %scan3A_267 = %scan3A_165 to %scan3A_167 step %scan3A_168  : i32 {
      %mul3A_268 = arith.constant 1 : i32
      %mul3A_269 = arith.muli %scan3A_267, %mul3A_268 : i32
      %add3A_270 = arith.constant 0 : i32
      %add3A_271 = arith.addi %add3A_270, %mul3A_269 : i32
      %mul3A_272 = arith.constant 2 : i32
      %mul3A_273 = arith.muli %add3A_271, %mul3A_272 : i32
      %dma_wait3A_274 = arith.constant 0 : i32
      %dma_wait3A_275 = arith.constant 0 : i32
      %dma_wait3A_276 = arith.constant 0 : i32
      %dma_wait3A_277 = arith.constant 0 : i32
      %dma_wait3A_278 = arith.constant 0 : i32
      %dma_wait3A_279 = arith.constant 0 : i32
      %dma_wait3A_280 = tpu.memref_slice %arg7[%dma_wait3A_276, %dma_wait3A_278, %dma_wait3A_279] : memref<2x128x128xf32, #tpu.memory_space<vmem>> -> memref<1x128x128xf32, #tpu.memory_space<vmem>>
      %dma_wait3A_281 = tpu.memref_squeeze %dma_wait3A_280 : memref<1x128x128xf32, #tpu.memory_space<vmem>> -> memref<128x128xf32, #tpu.memory_space<vmem>>
      %dma_wait3A_282 = arith.constant 0 : i32
      %dma_wait3A_283 = tpu.memref_slice %arg6[%dma_wait3A_274, %dma_wait3A_275, %dma_wait3A_282] : memref<40x2x128xi32, #tpu.memory_space<vmem>> -> memref<1x1x128xi32, #tpu.memory_space<vmem>>
      %dma_wait3A_284 = tpu.memref_squeeze %dma_wait3A_283 : memref<1x1x128xi32, #tpu.memory_space<vmem>> -> memref<128xi32, #tpu.memory_space<vmem>>
      %dma_wait3A_285 = arith.constant 0 : i32
      %dma_wait3A_286 = arith.constant 0 : i32
      %dma_wait3A_287 = tpu.memref_slice %arg2[%dma_wait3A_285, %dma_wait3A_286] : memref<10000x128xf32, #tpu.memory_space<hbm>> -> memref<10000x128xf32, #tpu.memory_space<hbm>>
      %dma_wait3A_288 = tpu.memref_slice %arg9[%dma_wait3A_277] : memref<2x!tpu.dma_semaphore, #tpu.memory_space<semaphore_mem>> -> memref<1x!tpu.dma_semaphore, #tpu.memory_space<semaphore_mem>>
      %dma_wait3A_289 = tpu.memref_squeeze %dma_wait3A_288 : memref<1x!tpu.dma_semaphore, #tpu.memory_space<semaphore_mem>> -> memref<!tpu.dma_semaphore, #tpu.memory_space<semaphore_mem>>
      tpu.wait_indirect_dma semaphore(%dma_wait3A_289 : memref<!tpu.dma_semaphore, #tpu.memory_space<semaphore_mem>>) src(%dma_wait3A_287 : memref<10000x128xf32, #tpu.memory_space<hbm>>) dst(%dma_wait3A_281 : memref<128x128xf32, #tpu.memory_space<vmem>>)
      %add3A_290 = arith.constant 0 : i32
      %add3A_291 = arith.addi %mul3A_273, %add3A_290 : i32
      %dma_start3A_292 = arith.constant 0 : i32
      %dma_start3A_293 = arith.constant 1 : i32
      %dma_start3A_294 = arith.constant 0 : i32
      %dma_start3A_295 = arith.constant 0 : i32
      %dma_start3A_296 = arith.constant 0 : i32
      %dma_start3A_297 = tpu.memref_slice %arg7[%dma_start3A_292, %dma_start3A_295, %dma_start3A_296] : memref<2x128x128xf32, #tpu.memory_space<vmem>> -> memref<1x128x128xf32, #tpu.memory_space<vmem>>
      %dma_start3A_298 = tpu.memref_squeeze %dma_start3A_297 : memref<1x128x128xf32, #tpu.memory_space<vmem>> -> memref<128x128xf32, #tpu.memory_space<vmem>>
      %dma_start3A_299 = arith.constant 0 : i32
      %dma_start3A_300 = tpu.memref_slice %arg6[%add3A_291, %dma_start3A_293, %dma_start3A_299] : memref<40x2x128xi32, #tpu.memory_space<vmem>> -> memref<1x1x128xi32, #tpu.memory_space<vmem>>
      %dma_start3A_301 = tpu.memref_squeeze %dma_start3A_300 : memref<1x1x128xi32, #tpu.memory_space<vmem>> -> memref<128xi32, #tpu.memory_space<vmem>>
      %dma_start3A_302 = arith.constant 0 : i32
      %dma_start3A_303 = arith.constant 0 : i32
      %dma_start3A_304 = tpu.memref_slice %arg8[%dma_start3A_302, %dma_start3A_303] : memref<10112x128xf32, #tpu.memory_space<vmem_shared>> -> memref<10112x128xf32, #tpu.memory_space<vmem_shared>>
      %dma_start3A_305 = tpu.memref_slice %arg10[%dma_start3A_294] : memref<2x!tpu.dma_semaphore, #tpu.memory_space<semaphore_mem>> -> memref<1x!tpu.dma_semaphore, #tpu.memory_space<semaphore_mem>>
      %dma_start3A_306 = tpu.memref_squeeze %dma_start3A_305 : memref<1x!tpu.dma_semaphore, #tpu.memory_space<semaphore_mem>> -> memref<!tpu.dma_semaphore, #tpu.memory_space<semaphore_mem>>
      tpu.enqueue_indirect_dma source(%dma_start3A_298 : memref<128x128xf32, #tpu.memory_space<vmem>>) target(%dma_start3A_304 : memref<10112x128xf32, #tpu.memory_space<vmem_shared>>) offsets(%dma_start3A_301 : memref<128xi32, #tpu.memory_space<vmem>>) semaphore(%dma_start3A_306 : memref<!tpu.dma_semaphore, #tpu.memory_space<semaphore_mem>>) {add = true}
      %dma_wait3A_307 = arith.constant 0 : i32
      %dma_wait3A_308 = arith.constant 0 : i32
      %dma_wait3A_309 = arith.constant 1 : i32
      %dma_wait3A_310 = arith.constant 0 : i32
      %dma_wait3A_311 = arith.constant 0 : i32
      %dma_wait3A_312 = arith.constant 0 : i32
      %dma_wait3A_313 = tpu.memref_slice %arg7[%dma_wait3A_307, %dma_wait3A_311, %dma_wait3A_312] : memref<2x128x128xf32, #tpu.memory_space<vmem>> -> memref<1x128x128xf32, #tpu.memory_space<vmem>>
      %dma_wait3A_314 = tpu.memref_squeeze %dma_wait3A_313 : memref<1x128x128xf32, #tpu.memory_space<vmem>> -> memref<128x128xf32, #tpu.memory_space<vmem>>
      %dma_wait3A_315 = arith.constant 0 : i32
      %dma_wait3A_316 = tpu.memref_slice %arg6[%dma_wait3A_308, %dma_wait3A_309, %dma_wait3A_315] : memref<40x2x128xi32, #tpu.memory_space<vmem>> -> memref<1x1x128xi32, #tpu.memory_space<vmem>>
      %dma_wait3A_317 = tpu.memref_squeeze %dma_wait3A_316 : memref<1x1x128xi32, #tpu.memory_space<vmem>> -> memref<128xi32, #tpu.memory_space<vmem>>
      %dma_wait3A_318 = arith.constant 0 : i32
      %dma_wait3A_319 = arith.constant 0 : i32
      %dma_wait3A_320 = tpu.memref_slice %arg8[%dma_wait3A_318, %dma_wait3A_319] : memref<10112x128xf32, #tpu.memory_space<vmem_shared>> -> memref<10112x128xf32, #tpu.memory_space<vmem_shared>>
      %dma_wait3A_321 = tpu.memref_slice %arg10[%dma_wait3A_310] : memref<2x!tpu.dma_semaphore, #tpu.memory_space<semaphore_mem>> -> memref<1x!tpu.dma_semaphore, #tpu.memory_space<semaphore_mem>>
      %dma_wait3A_322 = tpu.memref_squeeze %dma_wait3A_321 : memref<1x!tpu.dma_semaphore, #tpu.memory_space<semaphore_mem>> -> memref<!tpu.dma_semaphore, #tpu.memory_space<semaphore_mem>>
      tpu.wait_indirect_dma semaphore(%dma_wait3A_322 : memref<!tpu.dma_semaphore, #tpu.memory_space<semaphore_mem>>) src(%dma_wait3A_314 : memref<128x128xf32, #tpu.memory_space<vmem>>) dst(%dma_wait3A_320 : memref<10112x128xf32, #tpu.memory_space<vmem_shared>>)
      %add3A_323 = arith.constant 2 : i32
      %add3A_324 = arith.addi %mul3A_273, %add3A_323 : i32
      %add3A_325 = arith.constant 0 : i32
      %add3A_326 = arith.addi %add3A_324, %add3A_325 : i32
      %dma_start3A_327 = arith.constant 0 : i32
      %dma_start3A_328 = arith.constant 0 : i32
      %dma_start3A_329 = arith.constant 0 : i32
      %dma_start3A_330 = arith.constant 0 : i32
      %dma_start3A_331 = arith.constant 0 : i32
      %dma_start3A_332 = tpu.memref_slice %arg7[%dma_start3A_328, %dma_start3A_330, %dma_start3A_331] : memref<2x128x128xf32, #tpu.memory_space<vmem>> -> memref<1x128x128xf32, #tpu.memory_space<vmem>>
      %dma_start3A_333 = tpu.memref_squeeze %dma_start3A_332 : memref<1x128x128xf32, #tpu.memory_space<vmem>> -> memref<128x128xf32, #tpu.memory_space<vmem>>
      %dma_start3A_334 = arith.constant 0 : i32
      %dma_start3A_335 = tpu.memref_slice %arg6[%add3A_326, %dma_start3A_327, %dma_start3A_334] : memref<40x2x128xi32, #tpu.memory_space<vmem>> -> memref<1x1x128xi32, #tpu.memory_space<vmem>>
      %dma_start3A_336 = tpu.memref_squeeze %dma_start3A_335 : memref<1x1x128xi32, #tpu.memory_space<vmem>> -> memref<128xi32, #tpu.memory_space<vmem>>
      %dma_start3A_337 = arith.constant 0 : i32
      %dma_start3A_338 = arith.constant 0 : i32
      %dma_start3A_339 = tpu.memref_slice %arg2[%dma_start3A_337, %dma_start3A_338] : memref<10000x128xf32, #tpu.memory_space<hbm>> -> memref<10000x128xf32, #tpu.memory_space<hbm>>
      %dma_start3A_340 = tpu.memref_slice %arg9[%dma_start3A_329] : memref<2x!tpu.dma_semaphore, #tpu.memory_space<semaphore_mem>> -> memref<1x!tpu.dma_semaphore, #tpu.memory_space<semaphore_mem>>
      %dma_start3A_341 = tpu.memref_squeeze %dma_start3A_340 : memref<1x!tpu.dma_semaphore, #tpu.memory_space<semaphore_mem>> -> memref<!tpu.dma_semaphore, #tpu.memory_space<semaphore_mem>>
      tpu.enqueue_indirect_dma source(%dma_start3A_339 : memref<10000x128xf32, #tpu.memory_space<hbm>>) target(%dma_start3A_333 : memref<128x128xf32, #tpu.memory_space<vmem>>) offsets(%dma_start3A_336 : memref<128xi32, #tpu.memory_space<vmem>>) semaphore(%dma_start3A_341 : memref<!tpu.dma_semaphore, #tpu.memory_space<semaphore_mem>>)
      %dma_wait3A_342 = arith.constant 0 : i32
      %dma_wait3A_343 = arith.constant 0 : i32
      %dma_wait3A_344 = arith.constant 1 : i32
      %dma_wait3A_345 = arith.constant 1 : i32
      %dma_wait3A_346 = arith.constant 0 : i32
      %dma_wait3A_347 = arith.constant 0 : i32
      %dma_wait3A_348 = tpu.memref_slice %arg7[%dma_wait3A_344, %dma_wait3A_346, %dma_wait3A_347] : memref<2x128x128xf32, #tpu.memory_space<vmem>> -> memref<1x128x128xf32, #tpu.memory_space<vmem>>
      %dma_wait3A_349 = tpu.memref_squeeze %dma_wait3A_348 : memref<1x128x128xf32, #tpu.memory_space<vmem>> -> memref<128x128xf32, #tpu.memory_space<vmem>>
      %dma_wait3A_350 = arith.constant 0 : i32
      %dma_wait3A_351 = tpu.memref_slice %arg6[%dma_wait3A_342, %dma_wait3A_343, %dma_wait3A_350] : memref<40x2x128xi32, #tpu.memory_space<vmem>> -> memref<1x1x128xi32, #tpu.memory_space<vmem>>
      %dma_wait3A_352 = tpu.memref_squeeze %dma_wait3A_351 : memref<1x1x128xi32, #tpu.memory_space<vmem>> -> memref<128xi32, #tpu.memory_space<vmem>>
      %dma_wait3A_353 = arith.constant 0 : i32
      %dma_wait3A_354 = arith.constant 0 : i32
      %dma_wait3A_355 = tpu.memref_slice %arg2[%dma_wait3A_353, %dma_wait3A_354] : memref<10000x128xf32, #tpu.memory_space<hbm>> -> memref<10000x128xf32, #tpu.memory_space<hbm>>
      %dma_wait3A_356 = tpu.memref_slice %arg9[%dma_wait3A_345] : memref<2x!tpu.dma_semaphore, #tpu.memory_space<semaphore_mem>> -> memref<1x!tpu.dma_semaphore, #tpu.memory_space<semaphore_mem>>
      %dma_wait3A_357 = tpu.memref_squeeze %dma_wait3A_356 : memref<1x!tpu.dma_semaphore, #tpu.memory_space<semaphore_mem>> -> memref<!tpu.dma_semaphore, #tpu.memory_space<semaphore_mem>>
      tpu.wait_indirect_dma semaphore(%dma_wait3A_357 : memref<!tpu.dma_semaphore, #tpu.memory_space<semaphore_mem>>) src(%dma_wait3A_355 : memref<10000x128xf32, #tpu.memory_space<hbm>>) dst(%dma_wait3A_349 : memref<128x128xf32, #tpu.memory_space<vmem>>)
      %add3A_358 = arith.constant 1 : i32
      %add3A_359 = arith.addi %mul3A_273, %add3A_358 : i32
      %dma_start3A_360 = arith.constant 1 : i32
      %dma_start3A_361 = arith.constant 1 : i32
      %dma_start3A_362 = arith.constant 1 : i32
      %dma_start3A_363 = arith.constant 0 : i32
      %dma_start3A_364 = arith.constant 0 : i32
      %dma_start3A_365 = tpu.memref_slice %arg7[%dma_start3A_360, %dma_start3A_363, %dma_start3A_364] : memref<2x128x128xf32, #tpu.memory_space<vmem>> -> memref<1x128x128xf32, #tpu.memory_space<vmem>>
      %dma_start3A_366 = tpu.memref_squeeze %dma_start3A_365 : memref<1x128x128xf32, #tpu.memory_space<vmem>> -> memref<128x128xf32, #tpu.memory_space<vmem>>
      %dma_start3A_367 = arith.constant 0 : i32
      %dma_start3A_368 = tpu.memref_slice %arg6[%add3A_359, %dma_start3A_361, %dma_start3A_367] : memref<40x2x128xi32, #tpu.memory_space<vmem>> -> memref<1x1x128xi32, #tpu.memory_space<vmem>>
      %dma_start3A_369 = tpu.memref_squeeze %dma_start3A_368 : memref<1x1x128xi32, #tpu.memory_space<vmem>> -> memref<128xi32, #tpu.memory_space<vmem>>
      %dma_start3A_370 = arith.constant 0 : i32
      %dma_start3A_371 = arith.constant 0 : i32
      %dma_start3A_372 = tpu.memref_slice %arg8[%dma_start3A_370, %dma_start3A_371] : memref<10112x128xf32, #tpu.memory_space<vmem_shared>> -> memref<10112x128xf32, #tpu.memory_space<vmem_shared>>
      %dma_start3A_373 = tpu.memref_slice %arg10[%dma_start3A_362] : memref<2x!tpu.dma_semaphore, #tpu.memory_space<semaphore_mem>> -> memref<1x!tpu.dma_semaphore, #tpu.memory_space<semaphore_mem>>
      %dma_start3A_374 = tpu.memref_squeeze %dma_start3A_373 : memref<1x!tpu.dma_semaphore, #tpu.memory_space<semaphore_mem>> -> memref<!tpu.dma_semaphore, #tpu.memory_space<semaphore_mem>>
      tpu.enqueue_indirect_dma source(%dma_start3A_366 : memref<128x128xf32, #tpu.memory_space<vmem>>) target(%dma_start3A_372 : memref<10112x128xf32, #tpu.memory_space<vmem_shared>>) offsets(%dma_start3A_369 : memref<128xi32, #tpu.memory_space<vmem>>) semaphore(%dma_start3A_374 : memref<!tpu.dma_semaphore, #tpu.memory_space<semaphore_mem>>) {add = true}
      %dma_wait3A_375 = arith.constant 1 : i32
      %dma_wait3A_376 = arith.constant 0 : i32
      %dma_wait3A_377 = arith.constant 1 : i32
      %dma_wait3A_378 = arith.constant 1 : i32
      %dma_wait3A_379 = arith.constant 0 : i32
      %dma_wait3A_380 = arith.constant 0 : i32
      %dma_wait3A_381 = tpu.memref_slice %arg7[%dma_wait3A_375, %dma_wait3A_379, %dma_wait3A_380] : memref<2x128x128xf32, #tpu.memory_space<vmem>> -> memref<1x128x128xf32, #tpu.memory_space<vmem>>
      %dma_wait3A_382 = tpu.memref_squeeze %dma_wait3A_381 : memref<1x128x128xf32, #tpu.memory_space<vmem>> -> memref<128x128xf32, #tpu.memory_space<vmem>>
      %dma_wait3A_383 = arith.constant 0 : i32
      %dma_wait3A_384 = tpu.memref_slice %arg6[%dma_wait3A_376, %dma_wait3A_377, %dma_wait3A_383] : memref<40x2x128xi32, #tpu.memory_space<vmem>> -> memref<1x1x128xi32, #tpu.memory_space<vmem>>
      %dma_wait3A_385 = tpu.memref_squeeze %dma_wait3A_384 : memref<1x1x128xi32, #tpu.memory_space<vmem>> -> memref<128xi32, #tpu.memory_space<vmem>>
      %dma_wait3A_386 = arith.constant 0 : i32
      %dma_wait3A_387 = arith.constant 0 : i32
      %dma_wait3A_388 = tpu.memref_slice %arg8[%dma_wait3A_386, %dma_wait3A_387] : memref<10112x128xf32, #tpu.memory_space<vmem_shared>> -> memref<10112x128xf32, #tpu.memory_space<vmem_shared>>
      %dma_wait3A_389 = tpu.memref_slice %arg10[%dma_wait3A_378] : memref<2x!tpu.dma_semaphore, #tpu.memory_space<semaphore_mem>> -> memref<1x!tpu.dma_semaphore, #tpu.memory_space<semaphore_mem>>
      %dma_wait3A_390 = tpu.memref_squeeze %dma_wait3A_389 : memref<1x!tpu.dma_semaphore, #tpu.memory_space<semaphore_mem>> -> memref<!tpu.dma_semaphore, #tpu.memory_space<semaphore_mem>>
      tpu.wait_indirect_dma semaphore(%dma_wait3A_390 : memref<!tpu.dma_semaphore, #tpu.memory_space<semaphore_mem>>) src(%dma_wait3A_382 : memref<128x128xf32, #tpu.memory_space<vmem>>) dst(%dma_wait3A_388 : memref<10112x128xf32, #tpu.memory_space<vmem_shared>>)
      %add3A_391 = arith.constant 2 : i32
      %add3A_392 = arith.addi %mul3A_273, %add3A_391 : i32
      %add3A_393 = arith.constant 1 : i32
      %add3A_394 = arith.addi %add3A_392, %add3A_393 : i32
      %dma_start3A_395 = arith.constant 0 : i32
      %dma_start3A_396 = arith.constant 1 : i32
      %dma_start3A_397 = arith.constant 1 : i32
      %dma_start3A_398 = arith.constant 0 : i32
      %dma_start3A_399 = arith.constant 0 : i32
      %dma_start3A_400 = tpu.memref_slice %arg7[%dma_start3A_396, %dma_start3A_398, %dma_start3A_399] : memref<2x128x128xf32, #tpu.memory_space<vmem>> -> memref<1x128x128xf32, #tpu.memory_space<vmem>>
      %dma_start3A_401 = tpu.memref_squeeze %dma_start3A_400 : memref<1x128x128xf32, #tpu.memory_space<vmem>> -> memref<128x128xf32, #tpu.memory_space<vmem>>
      %dma_start3A_402 = arith.constant 0 : i32
      %dma_start3A_403 = tpu.memref_slice %arg6[%add3A_394, %dma_start3A_395, %dma_start3A_402] : memref<40x2x128xi32, #tpu.memory_space<vmem>> -> memref<1x1x128xi32, #tpu.memory_space<vmem>>
      %dma_start3A_404 = tpu.memref_squeeze %dma_start3A_403 : memref<1x1x128xi32, #tpu.memory_space<vmem>> -> memref<128xi32, #tpu.memory_space<vmem>>
      %dma_start3A_405 = arith.constant 0 : i32
      %dma_start3A_406 = arith.constant 0 : i32
      %dma_start3A_407 = tpu.memref_slice %arg2[%dma_start3A_405, %dma_start3A_406] : memref<10000x128xf32, #tpu.memory_space<hbm>> -> memref<10000x128xf32, #tpu.memory_space<hbm>>
      %dma_start3A_408 = tpu.memref_slice %arg9[%dma_start3A_397] : memref<2x!tpu.dma_semaphore, #tpu.memory_space<semaphore_mem>> -> memref<1x!tpu.dma_semaphore, #tpu.memory_space<semaphore_mem>>
      %dma_start3A_409 = tpu.memref_squeeze %dma_start3A_408 : memref<1x!tpu.dma_semaphore, #tpu.memory_space<semaphore_mem>> -> memref<!tpu.dma_semaphore, #tpu.memory_space<semaphore_mem>>
      tpu.enqueue_indirect_dma source(%dma_start3A_407 : memref<10000x128xf32, #tpu.memory_space<hbm>>) target(%dma_start3A_401 : memref<128x128xf32, #tpu.memory_space<vmem>>) offsets(%dma_start3A_404 : memref<128xi32, #tpu.memory_space<vmem>>) semaphore(%dma_start3A_409 : memref<!tpu.dma_semaphore, #tpu.memory_space<semaphore_mem>>)
    }
    %scan3A_169 = arith.constant 19 : i32
    %dma_wait3A_170 = arith.constant 0 : i32
    %dma_wait3A_171 = arith.constant 0 : i32
    %dma_wait3A_172 = arith.constant 0 : i32
    %dma_wait3A_173 = arith.constant 0 : i32
    %dma_wait3A_174 = arith.constant 0 : i32
    %dma_wait3A_175 = arith.constant 0 : i32
    %dma_wait3A_176 = tpu.memref_slice %arg7[%dma_wait3A_172, %dma_wait3A_174, %dma_wait3A_175] : memref<2x128x128xf32, #tpu.memory_space<vmem>> -> memref<1x128x128xf32, #tpu.memory_space<vmem>>
    %dma_wait3A_177 = tpu.memref_squeeze %dma_wait3A_176 : memref<1x128x128xf32, #tpu.memory_space<vmem>> -> memref<128x128xf32, #tpu.memory_space<vmem>>
    %dma_wait3A_178 = arith.constant 0 : i32
    %dma_wait3A_179 = tpu.memref_slice %arg6[%dma_wait3A_170, %dma_wait3A_171, %dma_wait3A_178] : memref<40x2x128xi32, #tpu.memory_space<vmem>> -> memref<1x1x128xi32, #tpu.memory_space<vmem>>
    %dma_wait3A_180 = tpu.memref_squeeze %dma_wait3A_179 : memref<1x1x128xi32, #tpu.memory_space<vmem>> -> memref<128xi32, #tpu.memory_space<vmem>>
    %dma_wait3A_181 = arith.constant 0 : i32
    %dma_wait3A_182 = arith.constant 0 : i32
    %dma_wait3A_183 = tpu.memref_slice %arg2[%dma_wait3A_181, %dma_wait3A_182] : memref<10000x128xf32, #tpu.memory_space<hbm>> -> memref<10000x128xf32, #tpu.memory_space<hbm>>
    %dma_wait3A_184 = tpu.memref_slice %arg9[%dma_wait3A_173] : memref<2x!tpu.dma_semaphore, #tpu.memory_space<semaphore_mem>> -> memref<1x!tpu.dma_semaphore, #tpu.memory_space<semaphore_mem>>
    %dma_wait3A_185 = tpu.memref_squeeze %dma_wait3A_184 : memref<1x!tpu.dma_semaphore, #tpu.memory_space<semaphore_mem>> -> memref<!tpu.dma_semaphore, #tpu.memory_space<semaphore_mem>>
    tpu.wait_indirect_dma semaphore(%dma_wait3A_185 : memref<!tpu.dma_semaphore, #tpu.memory_space<semaphore_mem>>) src(%dma_wait3A_183 : memref<10000x128xf32, #tpu.memory_space<hbm>>) dst(%dma_wait3A_177 : memref<128x128xf32, #tpu.memory_space<vmem>>)
    %dma_start3A_186 = arith.constant 0 : i32
    %dma_start3A_187 = arith.constant 38 : i32
    %dma_start3A_188 = arith.constant 1 : i32
    %dma_start3A_189 = arith.constant 0 : i32
    %dma_start3A_190 = arith.constant 0 : i32
    %dma_start3A_191 = arith.constant 0 : i32
    %dma_start3A_192 = tpu.memref_slice %arg7[%dma_start3A_186, %dma_start3A_190, %dma_start3A_191] : memref<2x128x128xf32, #tpu.memory_space<vmem>> -> memref<1x128x128xf32, #tpu.memory_space<vmem>>
    %dma_start3A_193 = tpu.memref_squeeze %dma_start3A_192 : memref<1x128x128xf32, #tpu.memory_space<vmem>> -> memref<128x128xf32, #tpu.memory_space<vmem>>
    %dma_start3A_194 = arith.constant 0 : i32
    %dma_start3A_195 = tpu.memref_slice %arg6[%dma_start3A_187, %dma_start3A_188, %dma_start3A_194] : memref<40x2x128xi32, #tpu.memory_space<vmem>> -> memref<1x1x128xi32, #tpu.memory_space<vmem>>
    %dma_start3A_196 = tpu.memref_squeeze %dma_start3A_195 : memref<1x1x128xi32, #tpu.memory_space<vmem>> -> memref<128xi32, #tpu.memory_space<vmem>>
    %dma_start3A_197 = arith.constant 0 : i32
    %dma_start3A_198 = arith.constant 0 : i32
    %dma_start3A_199 = tpu.memref_slice %arg8[%dma_start3A_197, %dma_start3A_198] : memref<10112x128xf32, #tpu.memory_space<vmem_shared>> -> memref<10112x128xf32, #tpu.memory_space<vmem_shared>>
    %dma_start3A_200 = tpu.memref_slice %arg10[%dma_start3A_189] : memref<2x!tpu.dma_semaphore, #tpu.memory_space<semaphore_mem>> -> memref<1x!tpu.dma_semaphore, #tpu.memory_space<semaphore_mem>>
    %dma_start3A_201 = tpu.memref_squeeze %dma_start3A_200 : memref<1x!tpu.dma_semaphore, #tpu.memory_space<semaphore_mem>> -> memref<!tpu.dma_semaphore, #tpu.memory_space<semaphore_mem>>
    tpu.enqueue_indirect_dma source(%dma_start3A_193 : memref<128x128xf32, #tpu.memory_space<vmem>>) target(%dma_start3A_199 : memref<10112x128xf32, #tpu.memory_space<vmem_shared>>) offsets(%dma_start3A_196 : memref<128xi32, #tpu.memory_space<vmem>>) semaphore(%dma_start3A_201 : memref<!tpu.dma_semaphore, #tpu.memory_space<semaphore_mem>>) {add = true}
    %dma_wait3A_202 = arith.constant 0 : i32
    %dma_wait3A_203 = arith.constant 0 : i32
    %dma_wait3A_204 = arith.constant 1 : i32
    %dma_wait3A_205 = arith.constant 1 : i32
    %dma_wait3A_206 = arith.constant 0 : i32
    %dma_wait3A_207 = arith.constant 0 : i32
    %dma_wait3A_208 = tpu.memref_slice %arg7[%dma_wait3A_204, %dma_wait3A_206, %dma_wait3A_207] : memref<2x128x128xf32, #tpu.memory_space<vmem>> -> memref<1x128x128xf32, #tpu.memory_space<vmem>>
    %dma_wait3A_209 = tpu.memref_squeeze %dma_wait3A_208 : memref<1x128x128xf32, #tpu.memory_space<vmem>> -> memref<128x128xf32, #tpu.memory_space<vmem>>
    %dma_wait3A_210 = arith.constant 0 : i32
    %dma_wait3A_211 = tpu.memref_slice %arg6[%dma_wait3A_202, %dma_wait3A_203, %dma_wait3A_210] : memref<40x2x128xi32, #tpu.memory_space<vmem>> -> memref<1x1x128xi32, #tpu.memory_space<vmem>>
    %dma_wait3A_212 = tpu.memref_squeeze %dma_wait3A_211 : memref<1x1x128xi32, #tpu.memory_space<vmem>> -> memref<128xi32, #tpu.memory_space<vmem>>
    %dma_wait3A_213 = arith.constant 0 : i32
    %dma_wait3A_214 = arith.constant 0 : i32
    %dma_wait3A_215 = tpu.memref_slice %arg2[%dma_wait3A_213, %dma_wait3A_214] : memref<10000x128xf32, #tpu.memory_space<hbm>> -> memref<10000x128xf32, #tpu.memory_space<hbm>>
    %dma_wait3A_216 = tpu.memref_slice %arg9[%dma_wait3A_205] : memref<2x!tpu.dma_semaphore, #tpu.memory_space<semaphore_mem>> -> memref<1x!tpu.dma_semaphore, #tpu.memory_space<semaphore_mem>>
    %dma_wait3A_217 = tpu.memref_squeeze %dma_wait3A_216 : memref<1x!tpu.dma_semaphore, #tpu.memory_space<semaphore_mem>> -> memref<!tpu.dma_semaphore, #tpu.memory_space<semaphore_mem>>
    tpu.wait_indirect_dma semaphore(%dma_wait3A_217 : memref<!tpu.dma_semaphore, #tpu.memory_space<semaphore_mem>>) src(%dma_wait3A_215 : memref<10000x128xf32, #tpu.memory_space<hbm>>) dst(%dma_wait3A_209 : memref<128x128xf32, #tpu.memory_space<vmem>>)
    %dma_start3A_218 = arith.constant 1 : i32
    %dma_start3A_219 = arith.constant 39 : i32
    %dma_start3A_220 = arith.constant 1 : i32
    %dma_start3A_221 = arith.constant 1 : i32
    %dma_start3A_222 = arith.constant 0 : i32
    %dma_start3A_223 = arith.constant 0 : i32
    %dma_start3A_224 = tpu.memref_slice %arg7[%dma_start3A_218, %dma_start3A_222, %dma_start3A_223] : memref<2x128x128xf32, #tpu.memory_space<vmem>> -> memref<1x128x128xf32, #tpu.memory_space<vmem>>
    %dma_start3A_225 = tpu.memref_squeeze %dma_start3A_224 : memref<1x128x128xf32, #tpu.memory_space<vmem>> -> memref<128x128xf32, #tpu.memory_space<vmem>>
    %dma_start3A_226 = arith.constant 0 : i32
    %dma_start3A_227 = tpu.memref_slice %arg6[%dma_start3A_219, %dma_start3A_220, %dma_start3A_226] : memref<40x2x128xi32, #tpu.memory_space<vmem>> -> memref<1x1x128xi32, #tpu.memory_space<vmem>>
    %dma_start3A_228 = tpu.memref_squeeze %dma_start3A_227 : memref<1x1x128xi32, #tpu.memory_space<vmem>> -> memref<128xi32, #tpu.memory_space<vmem>>
    %dma_start3A_229 = arith.constant 0 : i32
    %dma_start3A_230 = arith.constant 0 : i32
    %dma_start3A_231 = tpu.memref_slice %arg8[%dma_start3A_229, %dma_start3A_230] : memref<10112x128xf32, #tpu.memory_space<vmem_shared>> -> memref<10112x128xf32, #tpu.memory_space<vmem_shared>>
    %dma_start3A_232 = tpu.memref_slice %arg10[%dma_start3A_221] : memref<2x!tpu.dma_semaphore, #tpu.memory_space<semaphore_mem>> -> memref<1x!tpu.dma_semaphore, #tpu.memory_space<semaphore_mem>>
    %dma_start3A_233 = tpu.memref_squeeze %dma_start3A_232 : memref<1x!tpu.dma_semaphore, #tpu.memory_space<semaphore_mem>> -> memref<!tpu.dma_semaphore, #tpu.memory_space<semaphore_mem>>
    tpu.enqueue_indirect_dma source(%dma_start3A_225 : memref<128x128xf32, #tpu.memory_space<vmem>>) target(%dma_start3A_231 : memref<10112x128xf32, #tpu.memory_space<vmem_shared>>) offsets(%dma_start3A_228 : memref<128xi32, #tpu.memory_space<vmem>>) semaphore(%dma_start3A_233 : memref<!tpu.dma_semaphore, #tpu.memory_space<semaphore_mem>>) {add = true}
    %dma_wait3A_234 = arith.constant 0 : i32
    %dma_wait3A_235 = arith.constant 0 : i32
    %dma_wait3A_236 = arith.constant 1 : i32
    %dma_wait3A_237 = arith.constant 0 : i32
    %dma_wait3A_238 = arith.constant 0 : i32
    %dma_wait3A_239 = arith.constant 0 : i32
    %dma_wait3A_240 = tpu.memref_slice %arg7[%dma_wait3A_234, %dma_wait3A_238, %dma_wait3A_239] : memref<2x128x128xf32, #tpu.memory_space<vmem>> -> memref<1x128x128xf32, #tpu.memory_space<vmem>>
    %dma_wait3A_241 = tpu.memref_squeeze %dma_wait3A_240 : memref<1x128x128xf32, #tpu.memory_space<vmem>> -> memref<128x128xf32, #tpu.memory_space<vmem>>
    %dma_wait3A_242 = arith.constant 0 : i32
    %dma_wait3A_243 = tpu.memref_slice %arg6[%dma_wait3A_235, %dma_wait3A_236, %dma_wait3A_242] : memref<40x2x128xi32, #tpu.memory_space<vmem>> -> memref<1x1x128xi32, #tpu.memory_space<vmem>>
    %dma_wait3A_244 = tpu.memref_squeeze %dma_wait3A_243 : memref<1x1x128xi32, #tpu.memory_space<vmem>> -> memref<128xi32, #tpu.memory_space<vmem>>
    %dma_wait3A_245 = arith.constant 0 : i32
    %dma_wait3A_246 = arith.constant 0 : i32
    %dma_wait3A_247 = tpu.memref_slice %arg8[%dma_wait3A_245, %dma_wait3A_246] : memref<10112x128xf32, #tpu.memory_space<vmem_shared>> -> memref<10112x128xf32, #tpu.memory_space<vmem_shared>>
    %dma_wait3A_248 = tpu.memref_slice %arg10[%dma_wait3A_237] : memref<2x!tpu.dma_semaphore, #tpu.memory_space<semaphore_mem>> -> memref<1x!tpu.dma_semaphore, #tpu.memory_space<semaphore_mem>>
    %dma_wait3A_249 = tpu.memref_squeeze %dma_wait3A_248 : memref<1x!tpu.dma_semaphore, #tpu.memory_space<semaphore_mem>> -> memref<!tpu.dma_semaphore, #tpu.memory_space<semaphore_mem>>
    tpu.wait_indirect_dma semaphore(%dma_wait3A_249 : memref<!tpu.dma_semaphore, #tpu.memory_space<semaphore_mem>>) src(%dma_wait3A_241 : memref<128x128xf32, #tpu.memory_space<vmem>>) dst(%dma_wait3A_247 : memref<10112x128xf32, #tpu.memory_space<vmem_shared>>)
    %dma_wait3A_250 = arith.constant 1 : i32
    %dma_wait3A_251 = arith.constant 0 : i32
    %dma_wait3A_252 = arith.constant 1 : i32
    %dma_wait3A_253 = arith.constant 1 : i32
    %dma_wait3A_254 = arith.constant 0 : i32
    %dma_wait3A_255 = arith.constant 0 : i32
    %dma_wait3A_256 = tpu.memref_slice %arg7[%dma_wait3A_250, %dma_wait3A_254, %dma_wait3A_255] : memref<2x128x128xf32, #tpu.memory_space<vmem>> -> memref<1x128x128xf32, #tpu.memory_space<vmem>>
    %dma_wait3A_257 = tpu.memref_squeeze %dma_wait3A_256 : memref<1x128x128xf32, #tpu.memory_space<vmem>> -> memref<128x128xf32, #tpu.memory_space<vmem>>
    %dma_wait3A_258 = arith.constant 0 : i32
    %dma_wait3A_259 = tpu.memref_slice %arg6[%dma_wait3A_251, %dma_wait3A_252, %dma_wait3A_258] : memref<40x2x128xi32, #tpu.memory_space<vmem>> -> memref<1x1x128xi32, #tpu.memory_space<vmem>>
    %dma_wait3A_260 = tpu.memref_squeeze %dma_wait3A_259 : memref<1x1x128xi32, #tpu.memory_space<vmem>> -> memref<128xi32, #tpu.memory_space<vmem>>
    %dma_wait3A_261 = arith.constant 0 : i32
    %dma_wait3A_262 = arith.constant 0 : i32
    %dma_wait3A_263 = tpu.memref_slice %arg8[%dma_wait3A_261, %dma_wait3A_262] : memref<10112x128xf32, #tpu.memory_space<vmem_shared>> -> memref<10112x128xf32, #tpu.memory_space<vmem_shared>>
    %dma_wait3A_264 = tpu.memref_slice %arg10[%dma_wait3A_253] : memref<2x!tpu.dma_semaphore, #tpu.memory_space<semaphore_mem>> -> memref<1x!tpu.dma_semaphore, #tpu.memory_space<semaphore_mem>>
    %dma_wait3A_265 = tpu.memref_squeeze %dma_wait3A_264 : memref<1x!tpu.dma_semaphore, #tpu.memory_space<semaphore_mem>> -> memref<!tpu.dma_semaphore, #tpu.memory_space<semaphore_mem>>
    tpu.wait_indirect_dma semaphore(%dma_wait3A_265 : memref<!tpu.dma_semaphore, #tpu.memory_space<semaphore_mem>>) src(%dma_wait3A_257 : memref<128x128xf32, #tpu.memory_space<vmem>>) dst(%dma_wait3A_263 : memref<10112x128xf32, #tpu.memory_space<vmem_shared>>)
    %barrier3A_266 = arith.constant 0 : index
    tpu.barrier barrier_id(%barrier3A_266)
    "tpu.region"() ({
      %run_scoped3A = tpu.sem_alloc : memref<!tpu.dma_semaphore, #tpu.memory_space<semaphore_mem>>
      %dma_start3A_267 = arith.constant 0 : i32
      %dma_start3A_268 = tpu.memref_slice %arg5[%arg0, %mul3A_2, %dma_start3A_267] : memref<2x10112x128xf32, #tpu.memory_space<hbm>> -> memref<1x632x128xf32, #tpu.memory_space<hbm>>
      %dma_start3A_269 = tpu.memref_squeeze %dma_start3A_268 : memref<1x632x128xf32, #tpu.memory_space<hbm>> -> memref<632x128xf32, #tpu.memory_space<hbm>>
      %dma_start3A_270 = arith.constant 0 : i32
      %dma_start3A_271 = tpu.memref_slice %arg8[%mul3A_2, %dma_start3A_270] : memref<10112x128xf32, #tpu.memory_space<vmem_shared>> -> memref<632x128xf32, #tpu.memory_space<vmem_shared>>
      tpu.enqueue_dma source(%dma_start3A_271 : memref<632x128xf32, #tpu.memory_space<vmem_shared>>) target(%dma_start3A_269 : memref<632x128xf32, #tpu.memory_space<hbm>>) target_semaphore(%run_scoped3A : memref<!tpu.dma_semaphore, #tpu.memory_space<semaphore_mem>>)
      %dma_wait3A_272 = arith.constant 0 : i32
      %dma_wait3A_273 = tpu.memref_slice %arg5[%arg0, %mul3A_2, %dma_wait3A_272] : memref<2x10112x128xf32, #tpu.memory_space<hbm>> -> memref<1x632x128xf32, #tpu.memory_space<hbm>>
      %dma_wait3A_274 = tpu.memref_squeeze %dma_wait3A_273 : memref<1x632x128xf32, #tpu.memory_space<hbm>> -> memref<632x128xf32, #tpu.memory_space<hbm>>
      %dma_wait3A_275 = arith.constant 0 : i32
      %dma_wait3A_276 = tpu.memref_slice %arg8[%mul3A_2, %dma_wait3A_275] : memref<10112x128xf32, #tpu.memory_space<vmem_shared>> -> memref<632x128xf32, #tpu.memory_space<vmem_shared>>
      tpu.wait_dma2 semaphore(%run_scoped3A : memref<!tpu.dma_semaphore, #tpu.memory_space<semaphore_mem>>) src(%dma_wait3A_276 : memref<632x128xf32, #tpu.memory_space<vmem_shared>>) dst(%dma_wait3A_274 : memref<632x128xf32, #tpu.memory_space<hbm>>)
      tpu.yield
    }) : () -> ()
    return
  }
}

module attributes {stable_mosaic.version = 14 : i64} {
  func.func @_proj_body(%arg0: memref<10000x128xf32, #tpu.memory_space<vmem>>, %arg1: memref<10000x16xf32, #tpu.memory_space<vmem>>, %arg2: memref<128x128xf32, #tpu.memory_space<vmem>>, %arg3: memref<128x16xf32, #tpu.memory_space<vmem>>, %arg4: memref<10000x128xf32, #tpu.memory_space<vmem>>) attributes {dimension_semantics = [], scalar_prefetch = 0 : i64, scratch_operands = 0 : i64, tpu.core_type = #tpu.core_type<tc>} {
    %get3A = arith.constant 0 : index
    %get3A_0 = arith.constant 0 : index
    %get3A_1 = vector.load %arg0[%get3A, %get3A_0] : memref<10000x128xf32, #tpu.memory_space<vmem>>, vector<10000x128xf32>
    %get3A_2 = arith.constant 0 : index
    %get3A_3 = arith.constant 0 : index
    %get3A_4 = vector.load %arg2[%get3A_2, %get3A_3] : memref<128x128xf32, #tpu.memory_space<vmem>>, vector<128x128xf32>
    %transpose3A = tpu.transpose %get3A_4, [1, 0] : vector<128x128xf32> -> vector<128x128xf32>
    %dot_general3A = arith.constant dense<0.000000e+00> : vector<10000x128xf32>
    %dot_general3A_5 = tpu.matmul %get3A_1, %transpose3A, %dot_general3A {dimension_numbers = #tpu.dot_dimension_numbers<[1], [0], [0], [1], [0, 0, 1, 1], [], []>, transpose_lhs_hint = false} : vector<10000x128xf32>, vector<128x128xf32>, vector<10000x128xf32> -> vector<10000x128xf32>
    %get3A_6 = arith.constant 0 : index
    %get3A_7 = arith.constant 0 : index
    %get3A_8 = vector.load %arg1[%get3A_6, %get3A_7] : memref<10000x16xf32, #tpu.memory_space<vmem>>, vector<10000x16xf32>
    %get3A_9 = arith.constant 0 : index
    %get3A_10 = arith.constant 0 : index
    %get3A_11 = vector.load %arg3[%get3A_9, %get3A_10] : memref<128x16xf32, #tpu.memory_space<vmem>>, vector<128x16xf32>
    %transpose3A_12 = tpu.transpose %get3A_11, [1, 0] : vector<128x16xf32> -> vector<16x128xf32>
    %dot_general3A_13 = arith.constant dense<0.000000e+00> : vector<10000x128xf32>
    %dot_general3A_14 = tpu.matmul %get3A_8, %transpose3A_12, %dot_general3A_13 {dimension_numbers = #tpu.dot_dimension_numbers<[1], [0], [0], [1], [0, 0, 1, 1], [], []>, transpose_lhs_hint = false} : vector<10000x16xf32>, vector<16x128xf32>, vector<10000x128xf32> -> vector<10000x128xf32>
    %add3A = arith.addf %dot_general3A_5, %dot_general3A_14 : vector<10000x128xf32>
    %swap3A = arith.constant 0 : index
    %swap3A_15 = arith.constant 0 : index
    %swap3A_16 = vector.load %arg4[%swap3A, %swap3A_15] : memref<10000x128xf32, #tpu.memory_space<vmem>>, vector<10000x128xf32>
    tpu.vector_store %arg4[%swap3A, %swap3A_15], %add3A {strides = array<i32>} : memref<10000x128xf32, #tpu.memory_space<vmem>>, vector<10000x128xf32>,
    return
  }
}

module attributes {stable_mosaic.version = 14 : i64} {
  func.func @_mlp_body(%arg0: memref<10000x128xf32, #tpu.memory_space<vmem>>, %arg1: memref<2x10112x128xf32, #tpu.memory_space<vmem>>, %arg2: memref<1x128xf32, #tpu.memory_space<vmem>>, %arg3: memref<1x128xf32, #tpu.memory_space<vmem>>, %arg4: memref<1x128xf32, #tpu.memory_space<vmem>>, %arg5: memref<128x128xf32, #tpu.memory_space<vmem>>, %arg6: memref<1x128xf32, #tpu.memory_space<vmem>>, %arg7: memref<1x1xf32, #tpu.memory_space<smem>>, %arg8: memref<10000x128xf32, #tpu.memory_space<vmem>>) attributes {dimension_semantics = [], scalar_prefetch = 0 : i64, scratch_operands = 0 : i64, tpu.core_type = #tpu.core_type<tc>} {
    %get3A = arith.constant 0 : index
    %get3A_0 = arith.constant 0 : index
    %get3A_1 = vector.load %arg0[%get3A, %get3A_0] : memref<10000x128xf32, #tpu.memory_space<vmem>>, vector<10000x128xf32>
    %get3A_2 = arith.constant 0 : index
    %get3A_3 = arith.constant 0 : index
    %get3A_4 = memref.load %arg7[%get3A_2, %get3A_3] : memref<1x1xf32, #tpu.memory_space<smem>>
    %add3A = arith.constant 1.000000e+00 : f32
    %add3A_5 = arith.addf %add3A, %get3A_4 : f32
    %mul3A = vector.broadcast %add3A_5 : f32 to vector<10000x128xf32>
    %mul3A_6 = arith.mulf %mul3A, %get3A_1 : vector<10000x128xf32>
    %get3A_7 = arith.constant 0 : index
    %get3A_8 = arith.constant 0 : index
    %get3A_9 = arith.constant 0 : index
    %get3A_10 = vector.load %arg1[%get3A_7, %get3A_8, %get3A_9] : memref<2x10112x128xf32, #tpu.memory_space<vmem>>, vector<1x10000x128xf32>
    %get3A_11 = vector.shape_cast %get3A_10 : vector<1x10000x128xf32> to vector<10000x128xf32>
    %add3A_12 = arith.addf %mul3A_6, %get3A_11 : vector<10000x128xf32>
    %get3A_13 = arith.constant 1 : index
    %get3A_14 = arith.constant 0 : index
    %get3A_15 = arith.constant 0 : index
    %get3A_16 = vector.load %arg1[%get3A_13, %get3A_14, %get3A_15] : memref<2x10112x128xf32, #tpu.memory_space<vmem>>, vector<1x10000x128xf32>
    %get3A_17 = vector.shape_cast %get3A_16 : vector<1x10000x128xf32> to vector<10000x128xf32>
    %add3A_18 = arith.addf %add3A_12, %get3A_17 : vector<10000x128xf32>
    %get3A_19 = arith.constant 0 : index
    %get3A_20 = arith.constant 0 : index
    %get3A_21 = vector.load %arg2[%get3A_19, %get3A_20] : memref<1x128xf32, #tpu.memory_space<vmem>>, vector<1x128xf32>
    %add3A_22 = vector.broadcast %get3A_21 : vector<1x128xf32> to vector<10000x128xf32>
    %add3A_23 = arith.addf %add3A_18, %add3A_22 : vector<10000x128xf32>
    %reduce_sum3A = arith.constant dense<0.000000e+00> : vector<128xf32>
    %reduce_sum3A_24 = vector.multi_reduction <add>, %add3A_23, %reduce_sum3A [0] : vector<10000x128xf32> to vector<128xf32>
    %broadcast_in_dim3A = vector.shape_cast %reduce_sum3A_24 : vector<128xf32> to vector<1x128xf32>
    %div3A = arith.constant 1.000000e+04 : f32
    %div3A_25 = vector.broadcast %div3A : f32 to vector<1x128xf32>
    %div3A_26 = arith.divf %broadcast_in_dim3A, %div3A_25 : vector<1x128xf32>
    %sub3A = vector.broadcast %div3A_26 : vector<1x128xf32> to vector<10000x128xf32>
    %sub3A_27 = arith.subf %add3A_23, %sub3A : vector<10000x128xf32>
    %square3A = arith.mulf %sub3A_27, %sub3A_27 : vector<10000x128xf32>
    %reduce_sum3A_28 = arith.constant dense<0.000000e+00> : vector<128xf32>
    %reduce_sum3A_29 = vector.multi_reduction <add>, %square3A, %reduce_sum3A_28 [0] : vector<10000x128xf32> to vector<128xf32>
    %broadcast_in_dim3A_30 = vector.shape_cast %reduce_sum3A_29 : vector<128xf32> to vector<1x128xf32>
    %div3A_31 = arith.constant 1.000000e+04 : f32
    %div3A_32 = vector.broadcast %div3A_31 : f32 to vector<1x128xf32>
    %div3A_33 = arith.divf %broadcast_in_dim3A_30, %div3A_32 : vector<1x128xf32>
    %sub3A_34 = vector.broadcast %div3A_26 : vector<1x128xf32> to vector<10000x128xf32>
    %sub3A_35 = arith.subf %add3A_23, %sub3A_34 : vector<10000x128xf32>
    %add3A_36 = arith.constant 9.99999974E-6 : f32
    %add3A_37 = vector.broadcast %add3A_36 : f32 to vector<1x128xf32>
    %add3A_38 = arith.addf %div3A_33, %add3A_37 : vector<1x128xf32>
    %rsqrt3A = math.rsqrt %add3A_38 : vector<1x128xf32>
    %mul3A_39 = vector.broadcast %rsqrt3A : vector<1x128xf32> to vector<10000x128xf32>
    %mul3A_40 = arith.mulf %sub3A_35, %mul3A_39 : vector<10000x128xf32>
    %get3A_41 = arith.constant 0 : index
    %get3A_42 = arith.constant 0 : index
    %get3A_43 = vector.load %arg3[%get3A_41, %get3A_42] : memref<1x128xf32, #tpu.memory_space<vmem>>, vector<1x128xf32>
    %mul3A_44 = vector.broadcast %get3A_43 : vector<1x128xf32> to vector<10000x128xf32>
    %mul3A_45 = arith.mulf %mul3A_40, %mul3A_44 : vector<10000x128xf32>
    %get3A_46 = arith.constant 0 : index
    %get3A_47 = arith.constant 0 : index
    %get3A_48 = vector.load %arg4[%get3A_46, %get3A_47] : memref<1x128xf32, #tpu.memory_space<vmem>>, vector<1x128xf32>
    %add3A_49 = vector.broadcast %get3A_48 : vector<1x128xf32> to vector<10000x128xf32>
    %add3A_50 = arith.addf %mul3A_45, %add3A_49 : vector<10000x128xf32>
    %max3A = arith.constant 0.000000e+00 : f32
    %max3A_51 = vector.broadcast %max3A : f32 to vector<10000x128xf32>
    %max3A_52 = arith.maximumf %add3A_50, %max3A_51 : vector<10000x128xf32>
    %get3A_53 = arith.constant 0 : index
    %get3A_54 = arith.constant 0 : index
    %get3A_55 = vector.load %arg5[%get3A_53, %get3A_54] : memref<128x128xf32, #tpu.memory_space<vmem>>, vector<128x128xf32>
    %transpose3A = tpu.transpose %get3A_55, [1, 0] : vector<128x128xf32> -> vector<128x128xf32>
    %dot_general3A = arith.constant dense<0.000000e+00> : vector<10000x128xf32>
    %dot_general3A_56 = tpu.matmul %max3A_52, %transpose3A, %dot_general3A {dimension_numbers = #tpu.dot_dimension_numbers<[1], [0], [0], [1], [0, 0, 1, 1], [], []>, transpose_lhs_hint = false} : vector<10000x128xf32>, vector<128x128xf32>, vector<10000x128xf32> -> vector<10000x128xf32>
    %get3A_57 = arith.constant 0 : index
    %get3A_58 = arith.constant 0 : index
    %get3A_59 = vector.load %arg6[%get3A_57, %get3A_58] : memref<1x128xf32, #tpu.memory_space<vmem>>, vector<1x128xf32>
    %add3A_60 = vector.broadcast %get3A_59 : vector<1x128xf32> to vector<10000x128xf32>
    %add3A_61 = arith.addf %dot_general3A_56, %add3A_60 : vector<10000x128xf32>
    %swap3A = arith.constant 0 : index
    %swap3A_62 = arith.constant 0 : index
    %swap3A_63 = vector.load %arg8[%swap3A, %swap3A_62] : memref<10000x128xf32, #tpu.memory_space<vmem>>, vector<10000x128xf32>
    tpu.vector_store %arg8[%swap3A, %swap3A_62], %add3A_61 {strides = array<i32>} : memref<10000x128xf32, #tpu.memory_space<vmem>>, vector<10000x128xf32>,
    return
  }
}

</mosaic_0001>

<sc_bundles>
// kernel: kernel.5.cloned.1.call-start
scs
__scs_entry_jumppad:
0x0: {  	(pc) =	sbr.rel $0x88, $3  }
0x1: {  	(tag) =	ssettag $0x0;
	lr =	simm.s32 $0x1  }
0x2: {  	[smem:$0x3F97] =	sst lr;
	_ =	strace $0xD0000000  }
0x3: {  	_ = 	snop  }
0x4: {  	_ = 	snop  }
0x5: {  	_ = 	snop  }
0x6: {  	_ = 	snop  }
0x7: {  	_ = 	snop  }
__scs_overlays_trampoline_lowered:
0x8: {  	[smem:$0x3FA6] =	sst s0  }
0x9: {  	[smem:$0x3FA7] =	sst s1  }
0xa: {  	[smem:$0x3FA8] =	sst s2  }
0xb: {  	[smem:$0x3FA9] =	sst s3  }
0xc: {  	[smem:$0x3FAA] =	sst s4  }
0xd: {  	[smem:$0x3FAB] =	sst s5  }
0xe: {  	[smem:$0x3FAC] =	sst s6  }
0xf: {  	[smem:$0x3FAD] =	sst s7  }
0x10: {  	[smem:$0x3FAE] =	sst s8  }
0x11: {  	[smem:$0x3FAF] =	sst s9;
	s0 =	simm.s32 @!p0 $0x0  }
0x12: {  	s1 =	sld [smem:$0x3F95];
	s0 =	simm.s32 @p0 $0x1  }
0x13: {  	[smem:$0x3FB0] =	sst s0;
	s0 =	simm.s32 @!p1 $0x0  }
0x14: {  	s2 =	sld [smem:$0x3F94];
	s0 =	simm.s32 @p1 $0x1  }
0x15: {  	[smem:$0x3FB1] =	sst s0;
	s0 =	simm.s32 @!p2 $0x0  }
0x16: {  	s3 =	sld [smem:$0x3FDB];
	s0 =	simm.s32 @p2 $0x1  }
0x17: {  	s4 =	simm.s32 $0x1BF5;
	[smem:$0x3FB3] =	sst s0  }
0x18: {  	s0 =	sld [smem:$0x3F96];
	_ =	swait.ge [sflag:s4], $0x0  }
0x19: {  	s7 =	sld [smem:$0x3F97]  }
0x1a: {  	s8 =	sadd.s32 $0xFFFFE003, lr  }
0x1b: {  	s9 =	sadd.s32 $0xFFFFFEF7, lr;
	s5 =	simm.s32 $0xFFFFFFFF;
	p2 =	slt.u32 s8, $0xFFFFF086  }
0x1c: {  	p1 =	slt.u32 s9, $0xF7A;
	s5 =	simm.s32 @!p2 $0x0  }
0x1d: {  	s5 =	simm.s32 @p1 $0x1;
	p0 =	seq.s32 s7, s2  }
0x1e: {  	s7 =	smul.u32 @!p0 $0xF7A, s2;
	p2 =	seq.s32 @!p0 s5, $0x0  }
0x1f: {  	s9 =	smul.u32 $0xF7A, s1;
	s8 =	simm.s32 @!p0 $0x1BF5;
	p2 =	por !p2, p0  }
0x20: {  	[sflag:s8] =	ssyncset.s32 @!p0 $0xFFFFF086;
	s6 =	sadd.s32 @!p0 s3, s7;
	s7 =	simm.s32 @!p0 $0x108  }
0x21: {  	s3 =	sadd.s32 s3, s9;
	s6 =	sadd.s32 @!p0 $0x88, s6;
	s7 =	simm.s32 @p2 $0x1082  }
0x22: {  	[simem:s7], [sflag:s8] =	dma.local @!p0 [hbm:s6], $0xF7A  }
0x23: {  	s9 =	sor.u32 $0xD0000000, s2;
	s6 =	simm.s32 $0x108;
	_ =	swait.ge @!p0 [sflag:s8], $0x0  }
0x24: {  	s3 =	sadd.s32 $0x88, s3;
	s6 =	simm.s32 @!p1 $0x1082;
	[sflag:s4] =	ssyncset.s32 $0xFFFFF086  }
0x25: {  	[simem:s6], [sflag:s4] =	dma.local [hbm:s3], $0xF7A  }
0x26: {  	[smem:$0x3F97] =	sst s1;
	(tag) =	ssettag s2;
	_ =	strace s9  }
0x27: {  	s1 =	sld [smem:$0x3FA7]  }
0x28: {  	s2 =	sld [smem:$0x3FA8]  }
0x29: {  	s4 =	sld [smem:$0x3FAA]  }
0x2a: {  	p0 =	seq.s32 s5, $0x0;
	s5 =	sld [smem:$0x3FAB]  }
0x2b: {  	s6 =	sld [smem:$0x3FAC]  }
0x2c: {  	s7 =	sld [smem:$0x3FAD]  }
0x2d: {  	s3 =	simm.s32 $0x108;
	s8 =	sld [smem:$0x3FAE]  }
0x2e: {  	s3 =	simm.s32 @!p0 $0x1082;
	s9 =	sld [smem:$0x3FAF]  }
0x2f: {  	lr =	sadd.s32 s0, s3;
	s0 =	sld [smem:$0x3FA6]  }
0x30: {  	s3 =	sld [smem:$0x3FA9]  }
0x31: {  	[smem:$0x3FB2] =	sst s10  }
0x32: {  	s10 =	sld [smem:$0x3FB0];
	_ =	sdelay $0x3  }
0x33: {  	p0 =	seq.s32 s10, $0x1;
	s10 =	sld [smem:$0x3FB2];
	_ =	sdelay $0x3  }
0x34: {  	[smem:$0x3FB2] =	sst s10  }
0x35: {  	s10 =	sld [smem:$0x3FB1];
	_ =	sdelay $0x3  }
0x36: {  	p1 =	seq.s32 s10, $0x1;
	s10 =	sld [smem:$0x3FB2];
	_ =	sdelay $0x3  }
0x37: {  	[smem:$0x3FB2] =	sst s10  }
0x38: {  	s10 =	sld [smem:$0x3FB3]  }
0x39: {  	_ = 	snop;
	(pc) =	sbr.ind lr, $3  }
0x3a: {  	_ = 	snop  }
0x3b: {  	_ = 	snop  }
0x3c: {  	p2 =	seq.s32 s10, $0x1;
	s10 =	sld [smem:$0x3FB2]  }
0x3d: {  	_ =	shalt  }
0x3e: {  	_ =	shalt  }
0x3f: {  	_ =	shalt  }
0x40: {  	_ =	shalt  }
0x41: {  	_ =	shalt  }
0x42: {  	_ =	shalt  }
0x43: {  	_ =	shalt  }
0x44: {  	_ =	shalt  }
0x45: {  	_ =	shalt  }
0x46: {  	_ =	shalt  }
0x47: {  	_ =	shalt  }
0x48: {  	_ =	shalt  }
0x49: {  	_ =	shalt  }
0x4a: {  	_ =	shalt  }
0x4b: {  	_ =	shalt  }
0x4c: {  	_ =	shalt  }
0x4d: {  	_ =	shalt  }
0x4e: {  	_ =	shalt  }
0x4f: {  	_ =	shalt  }
0x50: {  	_ =	shalt  }
0x51: {  	_ =	shalt  }
0x52: {  	_ =	shalt  }
0x53: {  	_ =	shalt  }
0x54: {  	_ =	shalt  }
0x55: {  	_ =	shalt  }
0x56: {  	_ =	shalt  }
0x57: {  	_ =	shalt  }
0x58: {  	_ =	shalt  }
0x59: {  	_ =	shalt  }
0x5a: {  	_ =	shalt  }
0x5b: {  	_ =	shalt  }
0x5c: {  	_ =	shalt  }
0x5d: {  	_ =	shalt  }
0x5e: {  	_ =	shalt  }
0x5f: {  	_ =	shalt  }
0x60: {  	_ =	shalt  }
0x61: {  	_ =	shalt  }
0x62: {  	_ =	shalt  }
0x63: {  	_ =	shalt  }
0x64: {  	_ =	shalt  }
0x65: {  	_ =	shalt  }
0x66: {  	_ =	shalt  }
0x67: {  	_ =	shalt  }
0x68: {  	_ =	shalt  }
0x69: {  	_ =	shalt  }
0x6a: {  	_ =	shalt  }
0x6b: {  	_ =	shalt  }
0x6c: {  	_ =	shalt  }
0x6d: {  	_ =	shalt  }
0x6e: {  	_ =	shalt  }
0x6f: {  	_ =	shalt  }
0x70: {  	_ =	shalt  }
0x71: {  	_ =	shalt  }
0x72: {  	_ =	shalt  }
0x73: {  	_ =	shalt  }
0x74: {  	_ =	shalt  }
0x75: {  	_ =	shalt  }
0x76: {  	_ =	shalt  }
0x77: {  	_ =	shalt  }
0x78: {  	_ =	shalt  }
0x79: {  	_ =	shalt  }
0x7a: {  	_ =	shalt  }
0x7b: {  	_ =	shalt  }
0x7c: {  	_ =	shalt  }
0x7d: {  	_ =	shalt  }
0x7e: {  	_ =	shalt  }
0x7f: {  	_ =	shalt  }
0x80: {  	_ =	shalt  }
0x81: {  	_ =	shalt  }
0x82: {  	_ =	shalt  }
0x83: {  	_ =	shalt  }
0x84: {  	_ =	shalt  }
0x85: {  	_ =	shalt  }
0x86: {  	_ =	shalt  }
0x87: {  	_ =	shalt  }
.Lfunc_end0:
.L_simem_size_0:
called_computation_lowered:
.L_overlay_start_0:
0x88: {  	s2 =	sld [smem:$0x3FD9]  }
0x89: {  	s3 =	sld [smem:$0x3FFE];
	_ =	sdelay $0x1  }
0x8a: {  	s1 =	srdreg.scid  }
0x8b: {  	s0 =	sand.u32 $0x1, s1  }
0x8c: {  	s17 =	sshll.u32 s0, $0xA;
	s2 =	sadd.s32 s3, s2  }
0x8d: {  	s2 =	sadd.s32 s2, s17  }
0x8e: {  	[smem:$0x3FBE] =	sst s2  }
0x8f: {  	_ = 	snop  }
0x90: {  	s2 =	sld [smem:$0x3FD0];
	(tm) =	ssettm $0x1  }
0x91: {  	s18 =	sld [smem:$0x3FFB];
	_ =	sdelay $0x3  }
0x92: {  	_ =	strace s18  }
0x93: {  	s3 =	sld [smem:$0x3FFC];
	_ =	sdelay $0x3  }
0x94: {  	_ =	strace s3  }
0x95: {  	s3 =	sld [smem:$0x3FFD];
	_ =	sdelay $0x3  }
0x96: {  	_ =	strace s3  }
0x97: {  	_ =	strace $0x8FFFFFFF  }
0x98: {  	s19 =	sld [smem:$0x3FDB];
	_ =	sdelay $0x1  }
0x99: {  	s4 =	simm.s32 $_scs_section_size  }
0x9a: {  	s5 =	simm.s32 $_size__tile_overlayer_lowered;
	s6 =	simm.s32 $_tile_overlayer_lowered  }
0x9b: {  	s22 =	simm.s32 $0x1BFF;
	s21 =	sshll.u32 s6, $0x1;
	s3 =	sadd.s32 s4, s19  }
0x9c: {  	s7 =	simm.s32 $0x0;
	s20 =	sshll.u32 s5, $0x1;
	s5 =	sadd.s32 s21, s3  }
0x9d: {  	[timem:s7], [sflag:s22] =	dma.local [hbm:s5], s20  }
0x9e: {  	_ =	swait.ge [sflag:s22], s20  }
0x9f: {  	s4 =	ssub.s32 $0x0, s20;
	[sflag:s22] =	ssyncset.done $0x0  }
0xa0: {  	[sflag:s22] =	ssyncadd.s32 s4;
	_ =	sdelay $0x1  }
0xa1: {  	s23 =	simm.s32 $0x1B8B  }
0xa2: {  	_ =	swait.ge [sflag:s23], $0x1  }
0xa3: {  	[sflag:s23] =	ssyncset.done $0x0  }
0xa4: {  	s25 =	simm.s32 $0x1B8E;
	s24 =	sld [smem:$0x3FFE];
	[sflag:s23] =	ssyncadd.s32 $0xFFFFFFFF  }
0xa5: {  	s26 =	simm.s32 $execute0_lowered;
	[smem:$0x3FD2] =	sst s25  }
0xa6: {  	s5 =	sshll.u32 s26, $0x1;
	_ =	strace $0x80000046;
	[dreg:$0x1] =	wrdreg $0xFFFFFFFF  }
0xa7: {  	s28 =	simm.s32 $_size_execute0_lowered;
	s3 =	sadd.s32 s3, s5;
	[dreg:$0x0] =	wrdreg $0x0  }
0xa8: {  	s5 =	sshll.u32 s28, $0x1;
	[dreg:$0x2] =	wrdreg s3  }
0xa9: {  	[dreg:$0x3] =	wrdreg s5  }
0xaa: {  	[dreg:$0x4] =	wrdreg $0xC0  }
0xab: {  	_ =	task [dreg:s7], $0x5FFFF  }
0xac: {  	[dreg:$0x1] =	wrdreg $0xFFFFFFFF  }
0xad: {  	[dreg:$0x0] =	wrdreg $0x60  }
0xae: {  	[dreg:$0x2] =	wrdreg s2  }
0xaf: {  	[dreg:$0x3] =	wrdreg s24  }
0xb0: {  	[dreg:$0x4] =	wrdreg $0xA8000  }
0xb1: {  	[dreg:$0x5] =	wrdreg $0x9  }
0xb2: {  	_ =	task.clear_ibuf [dreg:s7], $0x6FFFF;
	_ =	strace $0x90000046  }
0xb3: {  	s29 =	simm.s32 $0x9;
	_ =	strace $0x80000048  }
0xb4: {  	_ =	swait.ge [sflag:s29], $0x1  }
0xb5: {  	[sflag:s29] =	ssyncadd.s32 $0xFFFFFFFF  }
0xb6: {  	_ =	strace $0x90000048  }
0xb7: {  	_ =	sfence  }
0xb8: {  	s30 =	sld [smem:$0x0];
	_ =	sdelay $0x2  }
0xb9: {  	s31 =	sshll.u32 s1, $0xD;
	s1 =	sshrl.u32 s1, $0x2  }
0xba: {  	s3 =	sand.u32 $0x4000, s31;
	s1 =	sadd.s32 s1, s30  }
0xbb: {  	s0 =	sor.u32 s3, s0;
	s1 =	sshll.u32 s1, $0x11  }
0xbc: {  	s0 =	sor.u32 s1, s0  }
0xbd: {  	s0 =	sadd.s32 $0x8F2B, s0  }
0xbe: {  	[sflag:s0] =	ssyncadd.remote.s32 $0x1  }
0xbf: {  	_ =	sfence.sel $0xFFFF  }
0xc0: {  	[dreg:$0x0] =	wrdreg $0xFFFFFFFF;
	(pc) =	sbr.abs _section_cstart, $3  }
0xc1: {  	[dreg:$0x1] =	wrdreg $0xFFFFFFFF  }
0xc2: {  	_ =	task.clear_ibuf [dreg:s7], $0x2FFFF;
	_ =	strace $0x9FFFFFFF  }
0xc3: {  	(tm) =	ssettm $0x7FFFFFFF  }
tec
execute0_lowered:
.L_overlay_start_1:
0x0: {  	(tag) =	ssettag $0x1  }
0x1: {  	s1 =	rddreg [dreg:$0x0]  }
0x2: {  	s7 =	rddreg [dreg:$0x1]  }
0x3: {  	s0 =	srdreg.scid;
	s3 =	rddreg [dreg:$0x2]  }
0x4: {  	s4 =	simm.s32 $0x0;
	s14 =	simm.s32 $0x2800;
	s15 =	simm.s32 $0x100  }
0x5: {  	s16 =	simm.s32 $0x6800;
	s17 =	simm.s32 $0x1;
	s18 =	simm.s32 $0x3  }
0x6: {  	s19 =	simm.s32 $0x2;
	s20 =	simm.s32 $0x4;
	s6 =	sand.u32 $0x1, s0  }
0x7: {  	s21 =	simm.s32 $0x2680;
	s0 =	stileid.u32;
	s8 =	smul.u32 $0x13C000, s6  }
0x8: {  	s22 =	simm.s32 $0x2780;
	s23 =	simm.s32 $0x0;
	s9 =	smul.u32 $0x13C00, s0  }
0x9: {  	[smem:$0x7FF] =	sst s4;
	s2 =	sshll.u32 s6, $0x4;
	s28 =	smul.u32 $0x4F000, s0  }
0xa: {  	s6 =	ssub.s32 $0x2, s6;
	s31 =	sshll.u32 s0, $0x6;
	s2 =	sor.u32 s0, s2  }
0xb: {  	s29 =	sshrl.u32 s6, $0x1;
	s5 =	smul.u32 $0x5000, s2;
	s2 =	rddreg [dreg:$0x3]  }
0xc: {  	_ =	strace $0x80000047;
	s8 =	sadd.s32 s9, s8;
	s30 =	sshrl.u32 s28, $0x2  }
0xd: {  	s12 =	ssub.s32 s6, s29;
	s6 =	sor.u32 $0x1C05, s31;
	s8 =	sshrl.u32 s8, $0x3  }
0xe: {  	s13 =	sadd.s32 s30, s3;
	s5 =	sshrl.u32 s5, $0x3;
	s11 =	sadd.s32 s8, s7  }
0xf: {  	s10 =	sadd.s32 s5, s7;
	s5 =	sadd.s32 $0x15C00, s7;
	s9 =	sadd.s32 $0x18400, s11  }
0x10: {  	s11 =	sshrl.u32 s13, $0x3;
	s13 =	simm.s32 $0x80;
	s7 =	sadd.s32 $0x1C00, s10  }
0x11: {  	s8 =	sadd.s32 $0x2100, s10;
	s10 =	smax.u32 s12, $0x1;
	s12 =	simm.s32 $0x5  }
.LBB2_1:
0x12: {  	[spmem:s11], [sflag:s6] =	dma.local [hbm:s5], $0x2780  }
0x13: {  	_ =	swait.ge [sflag:s12], $0x2780  }
0x14: {  	[sflag:s12] =	ssyncset.done $0x0  }
0x15: {  	[sflag:s12] =	ssyncadd.s32 $0xFFFFD880  }
0x16: {  	[bflag:$0x0] =	sbarrier.arrive $0xFFFF  }
0x17: {  	[tilespmem:s4], [sflag:$0x5] =	stream.linear.gather [hbm4b:s7+s4], $0x2800, $0x38;
	[tilespmem:$0x1E400] =	vst v63  }
0x18: {  	_ =	swait.ge [sflag:s12], $0x2800  }
0x19: {  	[sflag:s12] =	ssyncset.done $0x0  }
0x1a: {  	[sflag:s12] =	ssyncadd.s32 $0xFFFFD800  }
0x1b: {  	[tilespmem:s14], [sflag:$0x1] =	stream.indirect.gather [hbm4b:s1+s13], $0x80, s4, s13, $0xb8;
	[tilespmem:$0x1E400] =	vst v63  }
0x1c: {  	_ = 	snop  }
0x1d: {  	[tilespmem:s16], [sflag:$0x2] =	stream.indirect.gather [hbm4b:s1+s13], $0x80, s15, s13, $0xb8;
	[tilespmem:$0x1E400] =	vst v63  }
0x1e: {  	_ =	swait.ge [sflag:s17], $0x4000  }
0x1f: {  	[sflag:s17] =	ssyncset.done $0x0  }
0x20: {  	s24 =	simm.s32 $0x80;
	[sflag:s17] =	ssyncadd.s32 $0xFFFFC000  }
0x21: {  	[spmem:s3] =	stream.indirect.scatter.add.f32 [tilespmem:s14], [sflag:$0x3], $0x80, s24, s13, $0xb8;
	[tilespmem:$0x1E400] =	vst v63  }
0x22: {  	_ =	swait.ge [sflag:s18], $0x4000  }
0x23: {  	[sflag:s18] =	ssyncset.done $0x0  }
0x24: {  	s30 =	simm.s32 $0x200;
	[sflag:s18] =	ssyncadd.s32 $0xFFFFC000  }
0x25: {  	[tilespmem:s14], [sflag:$0x1] =	stream.indirect.gather [hbm4b:s1+s13], $0x80, s30, s13, $0xb8;
	[tilespmem:$0x1E400] =	vst v63  }
0x26: {  	_ =	swait.ge [sflag:s19], $0x4000  }
0x27: {  	[sflag:s19] =	ssyncset.done $0x0  }
0x28: {  	s31 =	simm.s32 $0x180;
	[sflag:s19] =	ssyncadd.s32 $0xFFFFC000  }
0x29: {  	[spmem:s3] =	stream.indirect.scatter.add.f32 [tilespmem:s16], [sflag:$0x4], $0x80, s31, s13, $0xb8;
	[tilespmem:$0x1E400] =	vst v63  }
0x2a: {  	_ =	swait.ge [sflag:s20], $0x4000  }
0x2b: {  	[sflag:s20] =	ssyncset.done $0x0  }
0x2c: {  	s25 =	simm.s32 $0x300;
	s24 =	simm.s32 $0xFFFF7000;
	[sflag:s20] =	ssyncadd.s32 $0xFFFFC000  }
.LBB2_2:
0x2d: {  	[tilespmem:s16], [sflag:$0x2] =	stream.indirect.gather [hbm4b:s1+s13], $0x80, s25, s13, $0xb8;
	[tilespmem:$0x1E400] =	vst v63  }
0x2e: {  	s25 =	smov.u32 s24  }
0x2f: {  	p0 =	sne.s32 s24, $0xFFFFF800;
	s24 =	sadd.s32 $0x800, s24;
	_ =	swait.ge [sflag:s17], $0x4000  }
0x30: {  	s25 =	sshra.s32 s25, $0x2;
	[sflag:s17] =	ssyncset.done $0x0  }
0x31: {  	s26 =	sadd.s32 $0x2680, s25;
	[sflag:s17] =	ssyncadd.s32 $0xFFFFC000  }
0x32: {  	[spmem:s3] =	stream.indirect.scatter.add.f32 [tilespmem:s14], [sflag:$0x3], $0x80, s26, s13, $0xb8;
	[tilespmem:$0x1E400] =	vst v63  }
0x33: {  	_ =	swait.ge [sflag:s18], $0x4000  }
0x34: {  	[sflag:s18] =	ssyncset.done $0x0  }
0x35: {  	s26 =	sadd.s32 $0x2800, s25;
	[sflag:s18] =	ssyncadd.s32 $0xFFFFC000  }
0x36: {  	[tilespmem:s14], [sflag:$0x1] =	stream.indirect.gather [hbm4b:s1+s13], $0x80, s26, s13, $0xb8;
	[tilespmem:$0x1E400] =	vst v63  }
0x37: {  	_ =	swait.ge [sflag:s19], $0x4000  }
0x38: {  	[sflag:s19] =	ssyncset.done $0x0  }
.Ltmp0:
0x39: {  	s26 =	sadd.s32 $0x2780, s25;
	[sflag:s19] =	ssyncadd.s32 $0xFFFFC000;
	(pc) =	sbr.rel @p0 .LBB2_2-.Ltmp0, $4  }
0x3a: {  	[spmem:s3] =	stream.indirect.scatter.add.f32 [tilespmem:s16], [sflag:$0x4], $0x80, s26, s13, $0xb8;
	[tilespmem:$0x1E400] =	vst v63  }
0x3b: {  	_ =	swait.ge [sflag:s20], $0x4000  }
0x3c: {  	[sflag:s20] =	ssyncset.done $0x0  }
0x3d: {  	s25 =	sadd.s32 $0x2900, s25;
	[sflag:s20] =	ssyncadd.s32 $0xFFFFC000  }
0x3e: {  	[tilespmem:s16], [sflag:$0x2] =	stream.indirect.gather [hbm4b:s1+s13], $0x80, s25, s13, $0xb8;
	[tilespmem:$0x1E400] =	vst v63  }
0x3f: {  	_ =	swait.ge [sflag:s17], $0x4000  }
0x40: {  	[sflag:s17] =	ssyncset.done $0x0  }
0x41: {  	[sflag:s17] =	ssyncadd.s32 $0xFFFFC000  }
0x42: {  	[spmem:s3] =	stream.indirect.scatter.add.f32 [tilespmem:s14], [sflag:$0x3], $0x80, s21, s13, $0xb8;
	[tilespmem:$0x1E400] =	vst v63  }
0x43: {  	_ =	swait.ge [sflag:s19], $0x4000  }
0x44: {  	[sflag:s19] =	ssyncset.done $0x0  }
0x45: {  	[sflag:s19] =	ssyncadd.s32 $0xFFFFC000  }
0x46: {  	[spmem:s3] =	stream.indirect.scatter.add.f32 [tilespmem:s16], [sflag:$0x4], $0x80, s22, s13, $0xb8;
	[tilespmem:$0x1E400] =	vst v63  }
0x47: {  	_ =	swait.ge [sflag:s18], $0x4000  }
0x48: {  	[sflag:s18] =	ssyncset.done $0x0  }
0x49: {  	[sflag:s18] =	ssyncadd.s32 $0xFFFFC000  }
0x4a: {  	_ =	swait.ge [sflag:s20], $0x4000  }
0x4b: {  	[sflag:s20] =	ssyncset.done $0x0  }
0x4c: {  	[sflag:s20] =	ssyncadd.s32 $0xFFFFC000  }
0x4d: {  	[tilespmem:s4], [sflag:$0x5] =	stream.linear.gather [hbm4b:s8+s4], $0x2800, $0x38;
	[tilespmem:$0x1E400] =	vst v63  }
0x4e: {  	_ =	swait.ge [sflag:s12], $0x2800  }
0x4f: {  	[sflag:s12] =	ssyncset.done $0x0  }
0x50: {  	[sflag:s12] =	ssyncadd.s32 $0xFFFFD800  }
0x51: {  	[tilespmem:s14], [sflag:$0x1] =	stream.indirect.gather [hbm4b:s1+s13], $0x80, s4, s13, $0xb8;
	[tilespmem:$0x1E400] =	vst v63  }
0x52: {  	_ = 	snop  }
0x53: {  	[tilespmem:s16], [sflag:$0x2] =	stream.indirect.gather [hbm4b:s1+s13], $0x80, s15, s13, $0xb8;
	[tilespmem:$0x1E400] =	vst v63  }
0x54: {  	_ =	swait.ge [sflag:s17], $0x4000  }
0x55: {  	[sflag:s17] =	ssyncset.done $0x0  }
0x56: {  	s24 =	simm.s32 $0x80;
	[sflag:s17] =	ssyncadd.s32 $0xFFFFC000  }
0x57: {  	[spmem:s3] =	stream.indirect.scatter.add.f32 [tilespmem:s14], [sflag:$0x3], $0x80, s24, s13, $0xb8;
	[tilespmem:$0x1E400] =	vst v63  }
0x58: {  	_ =	swait.ge [sflag:s18], $0x4000  }
0x59: {  	[sflag:s18] =	ssyncset.done $0x0  }
0x5a: {  	s30 =	simm.s32 $0x200;
	[sflag:s18] =	ssyncadd.s32 $0xFFFFC000  }
0x5b: {  	[tilespmem:s14], [sflag:$0x1] =	stream.indirect.gather [hbm4b:s1+s13], $0x80, s30, s13, $0xb8;
	[tilespmem:$0x1E400] =	vst v63  }
0x5c: {  	_ =	swait.ge [sflag:s19], $0x4000  }
0x5d: {  	[sflag:s19] =	ssyncset.done $0x0  }
0x5e: {  	s31 =	simm.s32 $0x180;
	[sflag:s19] =	ssyncadd.s32 $0xFFFFC000  }
0x5f: {  	[spmem:s3] =	stream.indirect.scatter.add.f32 [tilespmem:s16], [sflag:$0x4], $0x80, s31, s13, $0xb8;
	[tilespmem:$0x1E400] =	vst v63  }
0x60: {  	_ =	swait.ge [sflag:s20], $0x4000  }
0x61: {  	[sflag:s20] =	ssyncset.done $0x0  }
0x62: {  	s25 =	simm.s32 $0x300;
	s24 =	simm.s32 $0xFFFF7000;
	[sflag:s20] =	ssyncadd.s32 $0xFFFFC000  }
.LBB2_4:
0x63: {  	[tilespmem:s16], [sflag:$0x2] =	stream.indirect.gather [hbm4b:s1+s13], $0x80, s25, s13, $0xb8;
	[tilespmem:$0x1E400] =	vst v63  }
0x64: {  	s25 =	smov.u32 s24  }
0x65: {  	p0 =	sne.s32 s24, $0xFFFFF800;
	s24 =	sadd.s32 $0x800, s24;
	_ =	swait.ge [sflag:s17], $0x4000  }
0x66: {  	s25 =	sshra.s32 s25, $0x2;
	[sflag:s17] =	ssyncset.done $0x0  }
0x67: {  	s26 =	sadd.s32 $0x2680, s25;
	[sflag:s17] =	ssyncadd.s32 $0xFFFFC000  }
0x68: {  	[spmem:s3] =	stream.indirect.scatter.add.f32 [tilespmem:s14], [sflag:$0x3], $0x80, s26, s13, $0xb8;
	[tilespmem:$0x1E400] =	vst v63  }
0x69: {  	_ =	swait.ge [sflag:s18], $0x4000  }
0x6a: {  	[sflag:s18] =	ssyncset.done $0x0  }
0x6b: {  	s26 =	sadd.s32 $0x2800, s25;
	[sflag:s18] =	ssyncadd.s32 $0xFFFFC000  }
0x6c: {  	[tilespmem:s14], [sflag:$0x1] =	stream.indirect.gather [hbm4b:s1+s13], $0x80, s26, s13, $0xb8;
	[tilespmem:$0x1E400] =	vst v63  }
0x6d: {  	_ =	swait.ge [sflag:s19], $0x4000  }
0x6e: {  	[sflag:s19] =	ssyncset.done $0x0  }
.Ltmp1:
0x6f: {  	s26 =	sadd.s32 $0x2780, s25;
	[sflag:s19] =	ssyncadd.s32 $0xFFFFC000;
	(pc) =	sbr.rel @p0 .LBB2_4-.Ltmp1, $4  }
0x70: {  	[spmem:s3] =	stream.indirect.scatter.add.f32 [tilespmem:s16], [sflag:$0x4], $0x80, s26, s13, $0xb8;
	[tilespmem:$0x1E400] =	vst v63  }
0x71: {  	_ =	swait.ge [sflag:s20], $0x4000  }
0x72: {  	[sflag:s20] =	ssyncset.done $0x0  }
0x73: {  	s25 =	sadd.s32 $0x2900, s25;
	[sflag:s20] =	ssyncadd.s32 $0xFFFFC000  }
0x74: {  	[tilespmem:s16], [sflag:$0x2] =	stream.indirect.gather [hbm4b:s1+s13], $0x80, s25, s13, $0xb8;
	[tilespmem:$0x1E400] =	vst v63  }
0x75: {  	_ =	swait.ge [sflag:s17], $0x4000  }
0x76: {  	[sflag:s17] =	ssyncset.done $0x0  }
0x77: {  	[sflag:s17] =	ssyncadd.s32 $0xFFFFC000  }
0x78: {  	[spmem:s3] =	stream.indirect.scatter.add.f32 [tilespmem:s14], [sflag:$0x3], $0x80, s21, s13, $0xb8;
	[tilespmem:$0x1E400] =	vst v63  }
0x79: {  	_ =	swait.ge [sflag:s19], $0x4000  }
0x7a: {  	[sflag:s19] =	ssyncset.done $0x0  }
0x7b: {  	[sflag:s19] =	ssyncadd.s32 $0xFFFFC000  }
0x7c: {  	[spmem:s3] =	stream.indirect.scatter.add.f32 [tilespmem:s16], [sflag:$0x4], $0x80, s22, s13, $0xb8;
	[tilespmem:$0x1E400] =	vst v63  }
0x7d: {  	_ =	swait.ge [sflag:s18], $0x4000  }
0x7e: {  	[sflag:s18] =	ssyncset.done $0x0  }
0x7f: {  	[sflag:s18] =	ssyncadd.s32 $0xFFFFC000  }
0x80: {  	_ =	swait.ge [sflag:s20], $0x4000  }
0x81: {  	s23 =	sadd.s32 $0x1, s23;
	[sflag:s20] =	ssyncset.done $0x0  }
0x82: {  	p0 =	sne.s32 s23, s10;
	[sflag:s20] =	ssyncadd.s32 $0xFFFFC000  }
.Ltmp2:
0x83: {  	[bflag:$0x0] =	sbarrier.arrive $0xFFFF;
	(pc) =	sbr.rel @p0 .LBB2_1-.Ltmp2, $4  }
0x84: {  	[hbm:s9], [sflag:s6] =	dma.local [spmem:s11], $0x2780  }
0x85: {  	_ =	swait.ge [sflag:s12], $0x2780  }
0x86: {  	[sflag:s12] =	ssyncset.done $0x0  }
0x87: {  	[sflag:s12] =	ssyncadd.s32 $0xFFFFD880  }
0x88: {  	_ =	sfence.sel $0x180000  }
0x89: {  	[bflag:$0x0] =	sbarrier.arrive $0xFFFF  }
0x8a: {  	p0 =	sne.s32 s0, $0x0;
	_ =	strace $0x90000047  }
0x8b: {  	s0 =	sadd.s32 @!p0 $0x100000, s2;
	[bflag:$0x2] =	sbarrier.arrive $0xFFFF  }
0x8c: {  	[sflag:s0] =	ssyncadd.tile.s32 @!p0 $0x1;
	_ =	shalt  }
.Lfunc_end2:
_tile_overlayer_lowered:
.L_overlay_start_2:
0x8d: {  	(tag) =	ssettag $0x2  }
0x8e: {  	s0 =	rddreg [dreg:$0x0];
	s2 =	stileid.u32  }
0x8f: {  	s1 =	rddreg [dreg:$0x1];
	p0 =	sne.s32 s2, $0x0  }
0x90: {  	s3 =	rddreg [dreg:$0x2];
	[bflag:$0x3] =	sbarrier.arrive $0xFFFF;
	s2 =	simm.s32 @!p0 $0x1C05  }
0x91: {  	[timem:s3], [sflag:s2] =	dma.local @!p0 [hbm:s0], s1  }
0x92: {  	s0 =	simm.s32 @!p0 $0x5  }
0x93: {  	_ =	swait.ge @!p0 [sflag:s0], s1  }
0x94: {  	s1 =	ssub.s32 @!p0 $0x0, s1;
	[sflag:s0] =	ssyncset.done @!p0 $0x0  }
0x95: {  	[sflag:s0] =	ssyncadd.s32 @!p0 s1  }
0x96: {  	[bflag:$0x3] =	sbarrier.arrive $0xFFFF  }
0x97: {  	_ =	shalt  }

</sc_bundles>
